<compile_context>
chip_gen: v7x
topology: tpu7x:2x2x1
jax: 0.10.2.dev20260603
libtpu: 0.0.44.dev20260713+nightly
codegen_flags: <defaults>
</compile_context>

<pallas_src>
import functools

import jax
import jax.numpy as jnp
from jax import lax
from jax.experimental import pallas as pl
from jax.experimental.pallas import tpu as pltpu
from jax.experimental.pallas import tpu_sc as plsc

DIM = 128
NC = 2
NS = 16
NW = NC * NS
CH = 128
GPB = 1
BC = CH * GPB
NBUF = 6


@functools.lru_cache(maxsize=None)
def _build(B, V):
    BPW = B // NW
    NCH = BPW // CH
    NBC = BPW // BC
    mesh = plsc.VectorSubcoreMesh(core_axis_name="c", subcore_axis_name="s")

    @functools.partial(
        pl.kernel,
        mesh=mesh,
        out_type=jax.ShapeDtypeStruct((B, DIM), jnp.float32),
        scratch_types=[
            pltpu.VMEM((NCH, CH), jnp.int32),
            *[pltpu.VMEM((BC, DIM), jnp.float32) for _ in range(NBUF)],
            *[pltpu.SemaphoreType.DMA for _ in range(2 * NBUF)],
        ],
    )
    def emb(idx_hbm, table_hbm, out_hbm, idx_v, *rest):
        bufs = rest[:NBUF]
        gsems = rest[NBUF:2 * NBUF]
        osems = rest[2 * NBUF:]
        wid = lax.axis_index("s") * NC + lax.axis_index("c")
        base = wid * BPW
        pltpu.sync_copy(idx_hbm.at[wid], idx_v)

        def gather(t, h, b):
            return pltpu.make_async_copy(
                table_hbm.at[idx_v.at[GPB * t + h]],
                bufs[b].at[pl.ds(h * CH, CH)], gsems[b])

        def gstart(t, b):
            for h in range(GPB):
                gather(t, h, b).start()

        def gwait(t, b):
            for h in range(GPB):
                gather(t, h, b).wait()

        def outcp(t, b):
            return pltpu.make_async_copy(
                bufs[b], out_hbm.at[pl.ds(base + t * BC, BC)], osems[b])

        G = NBC // NBUF

        for b in range(NBUF):
            gstart(b, b)

        for t in range(NBUF):
            gwait(t, t)
            outcp(t, t).start()
            if t >= 1:
                outcp(t - 1, t - 1).wait()
                gstart(t + NBUF - 1, t - 1)

        def body(g, carry):
            for b in range(NBUF):
                t = g * NBUF + b
                gwait(t, b)
                outcp(t, b).start()
                pb = (b - 1) % NBUF
                outcp(t - 1, pb).wait()
                gstart(t + NBUF - 1, pb)
            return carry

        lax.fori_loop(1, G - 1, body, 0)

        for t in range(NBUF * (G - 1), NBC):
            b = t % NBUF
            gwait(t, b)
            outcp(t, b).start()
            pb = (t - 1) % NBUF
            outcp(t - 1, pb).wait()
            if t + NBUF - 1 <= NBC - 1:
                gstart(t + NBUF - 1, pb)
        outcp(NBC - 1, (NBC - 1) % NBUF).wait()

    return emb


def kernel(x, table):
    S0, S1 = x.shape
    B = S0 * S1
    idx = x.reshape(NW, B // NW // CH, CH).astype(jnp.int32)
    out = _build(B, table.shape[0])(idx, table)
    return out.reshape(S0, S1, DIM)

# --- scband reference (transcript-rebuilt; emitter-appended) ---
"""Pipeline reference for scband-embedding-23124103922338 (READ-ONLY COPY).

The authoritative reference and input builder live on the scoring server;
editing this copy changes nothing except your own understanding.
"""

import jax, jax.numpy as jnp
import numpy as np

VOCAB = 16657  # GeneUtils.tokens = 1 + 16656
DIM = 128

def setup_inputs(seed: int = 0) -> dict:
    key = jax.random.key(seed)
    k1, k2 = jax.random.split(key)
    x = jax.random.randint(k1, (4096, 200), 0, VOCAB, dtype=jnp.int64)
    table = jax.random.normal(k2, (VOCAB, DIM), dtype=jnp.float32)
    # padding_idx=0 -> row 0 is zeros
    table = table.at[0].set(0.0)
    return {"x": x, "table": table}

def reference(x, table):
    # torch.nn.Embedding forward: plain row gather from the table
    return jnp.take(table, x, axis=0)

if __name__ == "__main__":
    import jax
    _d = setup_inputs()
    print(jax.jit(kernel)(*tuple(_d.values())))

</pallas_src>

<mosaic_0001>
#map = affine_map<(d0, d1) -> (0, 0, 0)>
#map1 = affine_map<(d0, d1) -> (0, 0)>
module attributes {stable_mosaic.version = 14 : i64} {
  func.func @emb(%arg0: i32, %arg1: i32, %arg2: memref<32x200x128xi32, #tpu.memory_space<hbm>>, %arg3: memref<16657x128xf32, #tpu.memory_space<hbm>>, %arg4: memref<819200x128xf32, #tpu.memory_space<hbm>>, %arg5: memref<200x128xi32, #tpu.memory_space<vmem>>, %arg6: memref<128x128xf32, #tpu.memory_space<vmem>>, %arg7: memref<128x128xf32, #tpu.memory_space<vmem>>, %arg8: memref<128x128xf32, #tpu.memory_space<vmem>>, %arg9: memref<128x128xf32, #tpu.memory_space<vmem>>, %arg10: memref<128x128xf32, #tpu.memory_space<vmem>>, %arg11: memref<128x128xf32, #tpu.memory_space<vmem>>, %arg12: memref<!tpu.dma_semaphore, #tpu.memory_space<semaphore_mem>>, %arg13: memref<!tpu.dma_semaphore, #tpu.memory_space<semaphore_mem>>, %arg14: memref<!tpu.dma_semaphore, #tpu.memory_space<semaphore_mem>>, %arg15: memref<!tpu.dma_semaphore, #tpu.memory_space<semaphore_mem>>, %arg16: memref<!tpu.dma_semaphore, #tpu.memory_space<semaphore_mem>>, %arg17: memref<!tpu.dma_semaphore, #tpu.memory_space<semaphore_mem>>, %arg18: memref<!tpu.dma_semaphore, #tpu.memory_space<semaphore_mem>>, %arg19: memref<!tpu.dma_semaphore, #tpu.memory_space<semaphore_mem>>, %arg20: memref<!tpu.dma_semaphore, #tpu.memory_space<semaphore_mem>>, %arg21: memref<!tpu.dma_semaphore, #tpu.memory_space<semaphore_mem>>, %arg22: memref<!tpu.dma_semaphore, #tpu.memory_space<semaphore_mem>>, %arg23: memref<!tpu.dma_semaphore, #tpu.memory_space<semaphore_mem>>) attributes {dimension_semantics = [#tpu.dimension_semantics<core_parallel>, #tpu.dimension_semantics<subcore_parallel>], iteration_bounds = array<i64: 2, 16>, scalar_prefetch = 0 : i64, scratch_operands = 19 : i64, tpu.core_type = #tpu.core_type<sc_vector_subcore>, window_params = [{transform_indices = #map}, {transform_indices = #map1}, {transform_indices = #map1}]} {
    %mul3A = arith.constant 2 : i32
    %mul3A_0 = arith.muli %arg1, %mul3A : i32
    %add3A = arith.addi %mul3A_0, %arg0 : i32
    %mul3A_1 = arith.constant 25600 : i32
    %mul3A_2 = arith.muli %add3A, %mul3A_1 : i32
    "tpu.region"() ({
      %run_scoped3A = tpu.sem_alloc : memref<!tpu.dma_semaphore, #tpu.memory_space<semaphore_mem>>
      %dma_start3A_454 = arith.constant 0 : i32
      %dma_start3A_455 = arith.constant 0 : i32
      %dma_start3A_456 = tpu.memref_slice %arg2[%add3A, %dma_start3A_454, %dma_start3A_455] : memref<32x200x128xi32, #tpu.memory_space<hbm>> -> memref<1x200x128xi32, #tpu.memory_space<hbm>>
      %dma_start3A_457 = tpu.memref_squeeze %dma_start3A_456 : memref<1x200x128xi32, #tpu.memory_space<hbm>> -> memref<200x128xi32, #tpu.memory_space<hbm>>
      %dma_start3A_458 = arith.constant 0 : i32
      %dma_start3A_459 = arith.constant 0 : i32
      %dma_start3A_460 = tpu.memref_slice %arg2[%add3A, %dma_start3A_458, %dma_start3A_459] : memref<32x200x128xi32, #tpu.memory_space<hbm>> -> memref<1x200x128xi32, #tpu.memory_space<hbm>>
      %dma_start3A_461 = tpu.memref_squeeze %dma_start3A_460 : memref<1x200x128xi32, #tpu.memory_space<hbm>> -> memref<200x128xi32, #tpu.memory_space<hbm>>
      tpu.enqueue_dma source(%dma_start3A_461 : memref<200x128xi32, #tpu.memory_space<hbm>>) target(%arg5 : memref<200x128xi32, #tpu.memory_space<vmem>>) target_semaphore(%run_scoped3A : memref<!tpu.dma_semaphore, #tpu.memory_space<semaphore_mem>>)
      %dma_wait3A_462 = arith.constant 0 : i32
      %dma_wait3A_463 = arith.constant 0 : i32
      %dma_wait3A_464 = tpu.memref_slice %arg2[%add3A, %dma_wait3A_462, %dma_wait3A_463] : memref<32x200x128xi32, #tpu.memory_space<hbm>> -> memref<1x200x128xi32, #tpu.memory_space<hbm>>
      %dma_wait3A_465 = tpu.memref_squeeze %dma_wait3A_464 : memref<1x200x128xi32, #tpu.memory_space<hbm>> -> memref<200x128xi32, #tpu.memory_space<hbm>>
      %dma_wait3A_466 = arith.constant 0 : i32
      %dma_wait3A_467 = arith.constant 0 : i32
      %dma_wait3A_468 = tpu.memref_slice %arg2[%add3A, %dma_wait3A_466, %dma_wait3A_467] : memref<32x200x128xi32, #tpu.memory_space<hbm>> -> memref<1x200x128xi32, #tpu.memory_space<hbm>>
      %dma_wait3A_469 = tpu.memref_squeeze %dma_wait3A_468 : memref<1x200x128xi32, #tpu.memory_space<hbm>> -> memref<200x128xi32, #tpu.memory_space<hbm>>
      tpu.wait_dma2 semaphore(%run_scoped3A : memref<!tpu.dma_semaphore, #tpu.memory_space<semaphore_mem>>) src(%dma_wait3A_469 : memref<200x128xi32, #tpu.memory_space<hbm>>) dst(%arg5 : memref<200x128xi32, #tpu.memory_space<vmem>>)
      tpu.yield
    }) : () -> ()
    %dma_start3A = arith.constant 0 : i32
    %dma_start3A_3 = arith.constant 0 : i32
    %dma_start3A_4 = arith.constant 0 : i32
    %dma_start3A_5 = tpu.memref_slice %arg6[%dma_start3A_3, %dma_start3A_4] : memref<128x128xf32, #tpu.memory_space<vmem>> -> memref<128x128xf32, #tpu.memory_space<vmem>>
    %dma_start3A_6 = arith.constant 0 : i32
    %dma_start3A_7 = tpu.memref_slice %arg5[%dma_start3A, %dma_start3A_6] : memref<200x128xi32, #tpu.memory_space<vmem>> -> memref<1x128xi32, #tpu.memory_space<vmem>>
    %dma_start3A_8 = tpu.memref_squeeze %dma_start3A_7 : memref<1x128xi32, #tpu.memory_space<vmem>> -> memref<128xi32, #tpu.memory_space<vmem>>
    %dma_start3A_9 = arith.constant 0 : i32
    %dma_start3A_10 = arith.constant 0 : i32
    %dma_start3A_11 = tpu.memref_slice %arg3[%dma_start3A_9, %dma_start3A_10] : memref<16657x128xf32, #tpu.memory_space<hbm>> -> memref<16657x128xf32, #tpu.memory_space<hbm>>
    tpu.enqueue_indirect_dma source(%dma_start3A_11 : memref<16657x128xf32, #tpu.memory_space<hbm>>) target(%dma_start3A_5 : memref<128x128xf32, #tpu.memory_space<vmem>>) offsets(%dma_start3A_8 : memref<128xi32, #tpu.memory_space<vmem>>) semaphore(%arg12 : memref<!tpu.dma_semaphore, #tpu.memory_space<semaphore_mem>>)
    %dma_start3A_12 = arith.constant 1 : i32
    %dma_start3A_13 = arith.constant 0 : i32
    %dma_start3A_14 = arith.constant 0 : i32
    %dma_start3A_15 = tpu.memref_slice %arg7[%dma_start3A_13, %dma_start3A_14] : memref<128x128xf32, #tpu.memory_space<vmem>> -> memref<128x128xf32, #tpu.memory_space<vmem>>
    %dma_start3A_16 = arith.constant 0 : i32
    %dma_start3A_17 = tpu.memref_slice %arg5[%dma_start3A_12, %dma_start3A_16] : memref<200x128xi32, #tpu.memory_space<vmem>> -> memref<1x128xi32, #tpu.memory_space<vmem>>
    %dma_start3A_18 = tpu.memref_squeeze %dma_start3A_17 : memref<1x128xi32, #tpu.memory_space<vmem>> -> memref<128xi32, #tpu.memory_space<vmem>>
    %dma_start3A_19 = arith.constant 0 : i32
    %dma_start3A_20 = arith.constant 0 : i32
    %dma_start3A_21 = tpu.memref_slice %arg3[%dma_start3A_19, %dma_start3A_20] : memref<16657x128xf32, #tpu.memory_space<hbm>> -> memref<16657x128xf32, #tpu.memory_space<hbm>>
    tpu.enqueue_indirect_dma source(%dma_start3A_21 : memref<16657x128xf32, #tpu.memory_space<hbm>>) target(%dma_start3A_15 : memref<128x128xf32, #tpu.memory_space<vmem>>) offsets(%dma_start3A_18 : memref<128xi32, #tpu.memory_space<vmem>>) semaphore(%arg13 : memref<!tpu.dma_semaphore, #tpu.memory_space<semaphore_mem>>)
    %dma_start3A_22 = arith.constant 2 : i32
    %dma_start3A_23 = arith.constant 0 : i32
    %dma_start3A_24 = arith.constant 0 : i32
    %dma_start3A_25 = tpu.memref_slice %arg8[%dma_start3A_23, %dma_start3A_24] : memref<128x128xf32, #tpu.memory_space<vmem>> -> memref<128x128xf32, #tpu.memory_space<vmem>>
    %dma_start3A_26 = arith.constant 0 : i32
    %dma_start3A_27 = tpu.memref_slice %arg5[%dma_start3A_22, %dma_start3A_26] : memref<200x128xi32, #tpu.memory_space<vmem>> -> memref<1x128xi32, #tpu.memory_space<vmem>>
    %dma_start3A_28 = tpu.memref_squeeze %dma_start3A_27 : memref<1x128xi32, #tpu.memory_space<vmem>> -> memref<128xi32, #tpu.memory_space<vmem>>
    %dma_start3A_29 = arith.constant 0 : i32
    %dma_start3A_30 = arith.constant 0 : i32
    %dma_start3A_31 = tpu.memref_slice %arg3[%dma_start3A_29, %dma_start3A_30] : memref<16657x128xf32, #tpu.memory_space<hbm>> -> memref<16657x128xf32, #tpu.memory_space<hbm>>
    tpu.enqueue_indirect_dma source(%dma_start3A_31 : memref<16657x128xf32, #tpu.memory_space<hbm>>) target(%dma_start3A_25 : memref<128x128xf32, #tpu.memory_space<vmem>>) offsets(%dma_start3A_28 : memref<128xi32, #tpu.memory_space<vmem>>) semaphore(%arg14 : memref<!tpu.dma_semaphore, #tpu.memory_space<semaphore_mem>>)
    %dma_start3A_32 = arith.constant 3 : i32
    %dma_start3A_33 = arith.constant 0 : i32
    %dma_start3A_34 = arith.constant 0 : i32
    %dma_start3A_35 = tpu.memref_slice %arg9[%dma_start3A_33, %dma_start3A_34] : memref<128x128xf32, #tpu.memory_space<vmem>> -> memref<128x128xf32, #tpu.memory_space<vmem>>
    %dma_start3A_36 = arith.constant 0 : i32
    %dma_start3A_37 = tpu.memref_slice %arg5[%dma_start3A_32, %dma_start3A_36] : memref<200x128xi32, #tpu.memory_space<vmem>> -> memref<1x128xi32, #tpu.memory_space<vmem>>
    %dma_start3A_38 = tpu.memref_squeeze %dma_start3A_37 : memref<1x128xi32, #tpu.memory_space<vmem>> -> memref<128xi32, #tpu.memory_space<vmem>>
    %dma_start3A_39 = arith.constant 0 : i32
    %dma_start3A_40 = arith.constant 0 : i32
    %dma_start3A_41 = tpu.memref_slice %arg3[%dma_start3A_39, %dma_start3A_40] : memref<16657x128xf32, #tpu.memory_space<hbm>> -> memref<16657x128xf32, #tpu.memory_space<hbm>>
    tpu.enqueue_indirect_dma source(%dma_start3A_41 : memref<16657x128xf32, #tpu.memory_space<hbm>>) target(%dma_start3A_35 : memref<128x128xf32, #tpu.memory_space<vmem>>) offsets(%dma_start3A_38 : memref<128xi32, #tpu.memory_space<vmem>>) semaphore(%arg15 : memref<!tpu.dma_semaphore, #tpu.memory_space<semaphore_mem>>)
    %dma_start3A_42 = arith.constant 4 : i32
    %dma_start3A_43 = arith.constant 0 : i32
    %dma_start3A_44 = arith.constant 0 : i32
    %dma_start3A_45 = tpu.memref_slice %arg10[%dma_start3A_43, %dma_start3A_44] : memref<128x128xf32, #tpu.memory_space<vmem>> -> memref<128x128xf32, #tpu.memory_space<vmem>>
    %dma_start3A_46 = arith.constant 0 : i32
    %dma_start3A_47 = tpu.memref_slice %arg5[%dma_start3A_42, %dma_start3A_46] : memref<200x128xi32, #tpu.memory_space<vmem>> -> memref<1x128xi32, #tpu.memory_space<vmem>>
    %dma_start3A_48 = tpu.memref_squeeze %dma_start3A_47 : memref<1x128xi32, #tpu.memory_space<vmem>> -> memref<128xi32, #tpu.memory_space<vmem>>
    %dma_start3A_49 = arith.constant 0 : i32
    %dma_start3A_50 = arith.constant 0 : i32
    %dma_start3A_51 = tpu.memref_slice %arg3[%dma_start3A_49, %dma_start3A_50] : memref<16657x128xf32, #tpu.memory_space<hbm>> -> memref<16657x128xf32, #tpu.memory_space<hbm>>
    tpu.enqueue_indirect_dma source(%dma_start3A_51 : memref<16657x128xf32, #tpu.memory_space<hbm>>) target(%dma_start3A_45 : memref<128x128xf32, #tpu.memory_space<vmem>>) offsets(%dma_start3A_48 : memref<128xi32, #tpu.memory_space<vmem>>) semaphore(%arg16 : memref<!tpu.dma_semaphore, #tpu.memory_space<semaphore_mem>>)
    %dma_start3A_52 = arith.constant 5 : i32
    %dma_start3A_53 = arith.constant 0 : i32
    %dma_start3A_54 = arith.constant 0 : i32
    %dma_start3A_55 = tpu.memref_slice %arg11[%dma_start3A_53, %dma_start3A_54] : memref<128x128xf32, #tpu.memory_space<vmem>> -> memref<128x128xf32, #tpu.memory_space<vmem>>
    %dma_start3A_56 = arith.constant 0 : i32
    %dma_start3A_57 = tpu.memref_slice %arg5[%dma_start3A_52, %dma_start3A_56] : memref<200x128xi32, #tpu.memory_space<vmem>> -> memref<1x128xi32, #tpu.memory_space<vmem>>
    %dma_start3A_58 = tpu.memref_squeeze %dma_start3A_57 : memref<1x128xi32, #tpu.memory_space<vmem>> -> memref<128xi32, #tpu.memory_space<vmem>>
    %dma_start3A_59 = arith.constant 0 : i32
    %dma_start3A_60 = arith.constant 0 : i32
    %dma_start3A_61 = tpu.memref_slice %arg3[%dma_start3A_59, %dma_start3A_60] : memref<16657x128xf32, #tpu.memory_space<hbm>> -> memref<16657x128xf32, #tpu.memory_space<hbm>>
    tpu.enqueue_indirect_dma source(%dma_start3A_61 : memref<16657x128xf32, #tpu.memory_space<hbm>>) target(%dma_start3A_55 : memref<128x128xf32, #tpu.memory_space<vmem>>) offsets(%dma_start3A_58 : memref<128xi32, #tpu.memory_space<vmem>>) semaphore(%arg17 : memref<!tpu.dma_semaphore, #tpu.memory_space<semaphore_mem>>)
    %dma_wait3A = arith.constant 0 : i32
    %dma_wait3A_62 = arith.constant 0 : i32
    %dma_wait3A_63 = arith.constant 0 : i32
    %dma_wait3A_64 = tpu.memref_slice %arg6[%dma_wait3A_62, %dma_wait3A_63] : memref<128x128xf32, #tpu.memory_space<vmem>> -> memref<128x128xf32, #tpu.memory_space<vmem>>
    %dma_wait3A_65 = arith.constant 0 : i32
    %dma_wait3A_66 = tpu.memref_slice %arg5[%dma_wait3A, %dma_wait3A_65] : memref<200x128xi32, #tpu.memory_space<vmem>> -> memref<1x128xi32, #tpu.memory_space<vmem>>
    %dma_wait3A_67 = tpu.memref_squeeze %dma_wait3A_66 : memref<1x128xi32, #tpu.memory_space<vmem>> -> memref<128xi32, #tpu.memory_space<vmem>>
    %dma_wait3A_68 = arith.constant 0 : i32
    %dma_wait3A_69 = arith.constant 0 : i32
    %dma_wait3A_70 = tpu.memref_slice %arg3[%dma_wait3A_68, %dma_wait3A_69] : memref<16657x128xf32, #tpu.memory_space<hbm>> -> memref<16657x128xf32, #tpu.memory_space<hbm>>
    tpu.wait_indirect_dma semaphore(%arg12 : memref<!tpu.dma_semaphore, #tpu.memory_space<semaphore_mem>>) src(%dma_wait3A_70 : memref<16657x128xf32, #tpu.memory_space<hbm>>) dst(%dma_wait3A_64 : memref<128x128xf32, #tpu.memory_space<vmem>>)
    %add3A_71 = arith.constant 0 : i32
    %add3A_72 = arith.addi %mul3A_2, %add3A_71 : i32
    %dma_start3A_73 = arith.constant 0 : i32
    %dma_start3A_74 = tpu.memref_slice %arg4[%add3A_72, %dma_start3A_73] : memref<819200x128xf32, #tpu.memory_space<hbm>> -> memref<128x128xf32, #tpu.memory_space<hbm>>
    %dma_start3A_75 = arith.constant 0 : i32
    %dma_start3A_76 = tpu.memref_slice %arg4[%add3A_72, %dma_start3A_75] : memref<819200x128xf32, #tpu.memory_space<hbm>> -> memref<128x128xf32, #tpu.memory_space<hbm>>
    tpu.enqueue_dma source(%arg6 : memref<128x128xf32, #tpu.memory_space<vmem>>) target(%dma_start3A_76 : memref<128x128xf32, #tpu.memory_space<hbm>>) target_semaphore(%arg18 : memref<!tpu.dma_semaphore, #tpu.memory_space<semaphore_mem>>)
    %dma_wait3A_77 = arith.constant 1 : i32
    %dma_wait3A_78 = arith.constant 0 : i32
    %dma_wait3A_79 = arith.constant 0 : i32
    %dma_wait3A_80 = tpu.memref_slice %arg7[%dma_wait3A_78, %dma_wait3A_79] : memref<128x128xf32, #tpu.memory_space<vmem>> -> memref<128x128xf32, #tpu.memory_space<vmem>>
    %dma_wait3A_81 = arith.constant 0 : i32
    %dma_wait3A_82 = tpu.memref_slice %arg5[%dma_wait3A_77, %dma_wait3A_81] : memref<200x128xi32, #tpu.memory_space<vmem>> -> memref<1x128xi32, #tpu.memory_space<vmem>>
    %dma_wait3A_83 = tpu.memref_squeeze %dma_wait3A_82 : memref<1x128xi32, #tpu.memory_space<vmem>> -> memref<128xi32, #tpu.memory_space<vmem>>
    %dma_wait3A_84 = arith.constant 0 : i32
    %dma_wait3A_85 = arith.constant 0 : i32
    %dma_wait3A_86 = tpu.memref_slice %arg3[%dma_wait3A_84, %dma_wait3A_85] : memref<16657x128xf32, #tpu.memory_space<hbm>> -> memref<16657x128xf32, #tpu.memory_space<hbm>>
    tpu.wait_indirect_dma semaphore(%arg13 : memref<!tpu.dma_semaphore, #tpu.memory_space<semaphore_mem>>) src(%dma_wait3A_86 : memref<16657x128xf32, #tpu.memory_space<hbm>>) dst(%dma_wait3A_80 : memref<128x128xf32, #tpu.memory_space<vmem>>)
    %add3A_87 = arith.constant 128 : i32
    %add3A_88 = arith.addi %mul3A_2, %add3A_87 : i32
    %dma_start3A_89 = arith.constant 0 : i32
    %dma_start3A_90 = tpu.memref_slice %arg4[%add3A_88, %dma_start3A_89] : memref<819200x128xf32, #tpu.memory_space<hbm>> -> memref<128x128xf32, #tpu.memory_space<hbm>>
    %dma_start3A_91 = arith.constant 0 : i32
    %dma_start3A_92 = tpu.memref_slice %arg4[%add3A_88, %dma_start3A_91] : memref<819200x128xf32, #tpu.memory_space<hbm>> -> memref<128x128xf32, #tpu.memory_space<hbm>>
    tpu.enqueue_dma source(%arg7 : memref<128x128xf32, #tpu.memory_space<vmem>>) target(%dma_start3A_92 : memref<128x128xf32, #tpu.memory_space<hbm>>) target_semaphore(%arg19 : memref<!tpu.dma_semaphore, #tpu.memory_space<semaphore_mem>>)
    %add3A_93 = arith.constant 0 : i32
    %add3A_94 = arith.addi %mul3A_2, %add3A_93 : i32
    %dma_wait3A_95 = arith.constant 0 : i32
    %dma_wait3A_96 = tpu.memref_slice %arg4[%add3A_94, %dma_wait3A_95] : memref<819200x128xf32, #tpu.memory_space<hbm>> -> memref<128x128xf32, #tpu.memory_space<hbm>>
    %dma_wait3A_97 = arith.constant 0 : i32
    %dma_wait3A_98 = tpu.memref_slice %arg4[%add3A_94, %dma_wait3A_97] : memref<819200x128xf32, #tpu.memory_space<hbm>> -> memref<128x128xf32, #tpu.memory_space<hbm>>
    tpu.wait_dma2 semaphore(%arg18 : memref<!tpu.dma_semaphore, #tpu.memory_space<semaphore_mem>>) src(%arg6 : memref<128x128xf32, #tpu.memory_space<vmem>>) dst(%dma_wait3A_98 : memref<128x128xf32, #tpu.memory_space<hbm>>)
    %dma_start3A_99 = arith.constant 6 : i32
    %dma_start3A_100 = arith.constant 0 : i32
    %dma_start3A_101 = arith.constant 0 : i32
    %dma_start3A_102 = tpu.memref_slice %arg6[%dma_start3A_100, %dma_start3A_101] : memref<128x128xf32, #tpu.memory_space<vmem>> -> memref<128x128xf32, #tpu.memory_space<vmem>>
    %dma_start3A_103 = arith.constant 0 : i32
    %dma_start3A_104 = tpu.memref_slice %arg5[%dma_start3A_99, %dma_start3A_103] : memref<200x128xi32, #tpu.memory_space<vmem>> -> memref<1x128xi32, #tpu.memory_space<vmem>>
    %dma_start3A_105 = tpu.memref_squeeze %dma_start3A_104 : memref<1x128xi32, #tpu.memory_space<vmem>> -> memref<128xi32, #tpu.memory_space<vmem>>
    %dma_start3A_106 = arith.constant 0 : i32
    %dma_start3A_107 = arith.constant 0 : i32
    %dma_start3A_108 = tpu.memref_slice %arg3[%dma_start3A_106, %dma_start3A_107] : memref<16657x128xf32, #tpu.memory_space<hbm>> -> memref<16657x128xf32, #tpu.memory_space<hbm>>
    tpu.enqueue_indirect_dma source(%dma_start3A_108 : memref<16657x128xf32, #tpu.memory_space<hbm>>) target(%dma_start3A_102 : memref<128x128xf32, #tpu.memory_space<vmem>>) offsets(%dma_start3A_105 : memref<128xi32, #tpu.memory_space<vmem>>) semaphore(%arg12 : memref<!tpu.dma_semaphore, #tpu.memory_space<semaphore_mem>>)
    %dma_wait3A_109 = arith.constant 2 : i32
    %dma_wait3A_110 = arith.constant 0 : i32
    %dma_wait3A_111 = arith.constant 0 : i32
    %dma_wait3A_112 = tpu.memref_slice %arg8[%dma_wait3A_110, %dma_wait3A_111] : memref<128x128xf32, #tpu.memory_space<vmem>> -> memref<128x128xf32, #tpu.memory_space<vmem>>
    %dma_wait3A_113 = arith.constant 0 : i32
    %dma_wait3A_114 = tpu.memref_slice %arg5[%dma_wait3A_109, %dma_wait3A_113] : memref<200x128xi32, #tpu.memory_space<vmem>> -> memref<1x128xi32, #tpu.memory_space<vmem>>
    %dma_wait3A_115 = tpu.memref_squeeze %dma_wait3A_114 : memref<1x128xi32, #tpu.memory_space<vmem>> -> memref<128xi32, #tpu.memory_space<vmem>>
    %dma_wait3A_116 = arith.constant 0 : i32
    %dma_wait3A_117 = arith.constant 0 : i32
    %dma_wait3A_118 = tpu.memref_slice %arg3[%dma_wait3A_116, %dma_wait3A_117] : memref<16657x128xf32, #tpu.memory_space<hbm>> -> memref<16657x128xf32, #tpu.memory_space<hbm>>
    tpu.wait_indirect_dma semaphore(%arg14 : memref<!tpu.dma_semaphore, #tpu.memory_space<semaphore_mem>>) src(%dma_wait3A_118 : memref<16657x128xf32, #tpu.memory_space<hbm>>) dst(%dma_wait3A_112 : memref<128x128xf32, #tpu.memory_space<vmem>>)
    %add3A_119 = arith.constant 256 : i32
    %add3A_120 = arith.addi %mul3A_2, %add3A_119 : i32
    %dma_start3A_121 = arith.constant 0 : i32
    %dma_start3A_122 = tpu.memref_slice %arg4[%add3A_120, %dma_start3A_121] : memref<819200x128xf32, #tpu.memory_space<hbm>> -> memref<128x128xf32, #tpu.memory_space<hbm>>
    %dma_start3A_123 = arith.constant 0 : i32
    %dma_start3A_124 = tpu.memref_slice %arg4[%add3A_120, %dma_start3A_123] : memref<819200x128xf32, #tpu.memory_space<hbm>> -> memref<128x128xf32, #tpu.memory_space<hbm>>
    tpu.enqueue_dma source(%arg8 : memref<128x128xf32, #tpu.memory_space<vmem>>) target(%dma_start3A_124 : memref<128x128xf32, #tpu.memory_space<hbm>>) target_semaphore(%arg20 : memref<!tpu.dma_semaphore, #tpu.memory_space<semaphore_mem>>)
    %add3A_125 = arith.constant 128 : i32
    %add3A_126 = arith.addi %mul3A_2, %add3A_125 : i32
    %dma_wait3A_127 = arith.constant 0 : i32
    %dma_wait3A_128 = tpu.memref_slice %arg4[%add3A_126, %dma_wait3A_127] : memref<819200x128xf32, #tpu.memory_space<hbm>> -> memref<128x128xf32, #tpu.memory_space<hbm>>
    %dma_wait3A_129 = arith.constant 0 : i32
    %dma_wait3A_130 = tpu.memref_slice %arg4[%add3A_126, %dma_wait3A_129] : memref<819200x128xf32, #tpu.memory_space<hbm>> -> memref<128x128xf32, #tpu.memory_space<hbm>>
    tpu.wait_dma2 semaphore(%arg19 : memref<!tpu.dma_semaphore, #tpu.memory_space<semaphore_mem>>) src(%arg7 : memref<128x128xf32, #tpu.memory_space<vmem>>) dst(%dma_wait3A_130 : memref<128x128xf32, #tpu.memory_space<hbm>>)
    %dma_start3A_131 = arith.constant 7 : i32
    %dma_start3A_132 = arith.constant 0 : i32
    %dma_start3A_133 = arith.constant 0 : i32
    %dma_start3A_134 = tpu.memref_slice %arg7[%dma_start3A_132, %dma_start3A_133] : memref<128x128xf32, #tpu.memory_space<vmem>> -> memref<128x128xf32, #tpu.memory_space<vmem>>
    %dma_start3A_135 = arith.constant 0 : i32
    %dma_start3A_136 = tpu.memref_slice %arg5[%dma_start3A_131, %dma_start3A_135] : memref<200x128xi32, #tpu.memory_space<vmem>> -> memref<1x128xi32, #tpu.memory_space<vmem>>
    %dma_start3A_137 = tpu.memref_squeeze %dma_start3A_136 : memref<1x128xi32, #tpu.memory_space<vmem>> -> memref<128xi32, #tpu.memory_space<vmem>>
    %dma_start3A_138 = arith.constant 0 : i32
    %dma_start3A_139 = arith.constant 0 : i32
    %dma_start3A_140 = tpu.memref_slice %arg3[%dma_start3A_138, %dma_start3A_139] : memref<16657x128xf32, #tpu.memory_space<hbm>> -> memref<16657x128xf32, #tpu.memory_space<hbm>>
    tpu.enqueue_indirect_dma source(%dma_start3A_140 : memref<16657x128xf32, #tpu.memory_space<hbm>>) target(%dma_start3A_134 : memref<128x128xf32, #tpu.memory_space<vmem>>) offsets(%dma_start3A_137 : memref<128xi32, #tpu.memory_space<vmem>>) semaphore(%arg13 : memref<!tpu.dma_semaphore, #tpu.memory_space<semaphore_mem>>)
    %dma_wait3A_141 = arith.constant 3 : i32
    %dma_wait3A_142 = arith.constant 0 : i32
    %dma_wait3A_143 = arith.constant 0 : i32
    %dma_wait3A_144 = tpu.memref_slice %arg9[%dma_wait3A_142, %dma_wait3A_143] : memref<128x128xf32, #tpu.memory_space<vmem>> -> memref<128x128xf32, #tpu.memory_space<vmem>>
    %dma_wait3A_145 = arith.constant 0 : i32
    %dma_wait3A_146 = tpu.memref_slice %arg5[%dma_wait3A_141, %dma_wait3A_145] : memref<200x128xi32, #tpu.memory_space<vmem>> -> memref<1x128xi32, #tpu.memory_space<vmem>>
    %dma_wait3A_147 = tpu.memref_squeeze %dma_wait3A_146 : memref<1x128xi32, #tpu.memory_space<vmem>> -> memref<128xi32, #tpu.memory_space<vmem>>
    %dma_wait3A_148 = arith.constant 0 : i32
    %dma_wait3A_149 = arith.constant 0 : i32
    %dma_wait3A_150 = tpu.memref_slice %arg3[%dma_wait3A_148, %dma_wait3A_149] : memref<16657x128xf32, #tpu.memory_space<hbm>> -> memref<16657x128xf32, #tpu.memory_space<hbm>>
    tpu.wait_indirect_dma semaphore(%arg15 : memref<!tpu.dma_semaphore, #tpu.memory_space<semaphore_mem>>) src(%dma_wait3A_150 : memref<16657x128xf32, #tpu.memory_space<hbm>>) dst(%dma_wait3A_144 : memref<128x128xf32, #tpu.memory_space<vmem>>)
    %add3A_151 = arith.constant 384 : i32
    %add3A_152 = arith.addi %mul3A_2, %add3A_151 : i32
    %dma_start3A_153 = arith.constant 0 : i32
    %dma_start3A_154 = tpu.memref_slice %arg4[%add3A_152, %dma_start3A_153] : memref<819200x128xf32, #tpu.memory_space<hbm>> -> memref<128x128xf32, #tpu.memory_space<hbm>>
    %dma_start3A_155 = arith.constant 0 : i32
    %dma_start3A_156 = tpu.memref_slice %arg4[%add3A_152, %dma_start3A_155] : memref<819200x128xf32, #tpu.memory_space<hbm>> -> memref<128x128xf32, #tpu.memory_space<hbm>>
    tpu.enqueue_dma source(%arg9 : memref<128x128xf32, #tpu.memory_space<vmem>>) target(%dma_start3A_156 : memref<128x128xf32, #tpu.memory_space<hbm>>) target_semaphore(%arg21 : memref<!tpu.dma_semaphore, #tpu.memory_space<semaphore_mem>>)
    %add3A_157 = arith.constant 256 : i32
    %add3A_158 = arith.addi %mul3A_2, %add3A_157 : i32
    %dma_wait3A_159 = arith.constant 0 : i32
    %dma_wait3A_160 = tpu.memref_slice %arg4[%add3A_158, %dma_wait3A_159] : memref<819200x128xf32, #tpu.memory_space<hbm>> -> memref<128x128xf32, #tpu.memory_space<hbm>>
    %dma_wait3A_161 = arith.constant 0 : i32
    %dma_wait3A_162 = tpu.memref_slice %arg4[%add3A_158, %dma_wait3A_161] : memref<819200x128xf32, #tpu.memory_space<hbm>> -> memref<128x128xf32, #tpu.memory_space<hbm>>
    tpu.wait_dma2 semaphore(%arg20 : memref<!tpu.dma_semaphore, #tpu.memory_space<semaphore_mem>>) src(%arg8 : memref<128x128xf32, #tpu.memory_space<vmem>>) dst(%dma_wait3A_162 : memref<128x128xf32, #tpu.memory_space<hbm>>)
    %dma_start3A_163 = arith.constant 8 : i32
    %dma_start3A_164 = arith.constant 0 : i32
    %dma_start3A_165 = arith.constant 0 : i32
    %dma_start3A_166 = tpu.memref_slice %arg8[%dma_start3A_164, %dma_start3A_165] : memref<128x128xf32, #tpu.memory_space<vmem>> -> memref<128x128xf32, #tpu.memory_space<vmem>>
    %dma_start3A_167 = arith.constant 0 : i32
    %dma_start3A_168 = tpu.memref_slice %arg5[%dma_start3A_163, %dma_start3A_167] : memref<200x128xi32, #tpu.memory_space<vmem>> -> memref<1x128xi32, #tpu.memory_space<vmem>>
    %dma_start3A_169 = tpu.memref_squeeze %dma_start3A_168 : memref<1x128xi32, #tpu.memory_space<vmem>> -> memref<128xi32, #tpu.memory_space<vmem>>
    %dma_start3A_170 = arith.constant 0 : i32
    %dma_start3A_171 = arith.constant 0 : i32
    %dma_start3A_172 = tpu.memref_slice %arg3[%dma_start3A_170, %dma_start3A_171] : memref<16657x128xf32, #tpu.memory_space<hbm>> -> memref<16657x128xf32, #tpu.memory_space<hbm>>
    tpu.enqueue_indirect_dma source(%dma_start3A_172 : memref<16657x128xf32, #tpu.memory_space<hbm>>) target(%dma_start3A_166 : memref<128x128xf32, #tpu.memory_space<vmem>>) offsets(%dma_start3A_169 : memref<128xi32, #tpu.memory_space<vmem>>) semaphore(%arg14 : memref<!tpu.dma_semaphore, #tpu.memory_space<semaphore_mem>>)
    %dma_wait3A_173 = arith.constant 4 : i32
    %dma_wait3A_174 = arith.constant 0 : i32
    %dma_wait3A_175 = arith.constant 0 : i32
    %dma_wait3A_176 = tpu.memref_slice %arg10[%dma_wait3A_174, %dma_wait3A_175] : memref<128x128xf32, #tpu.memory_space<vmem>> -> memref<128x128xf32, #tpu.memory_space<vmem>>
    %dma_wait3A_177 = arith.constant 0 : i32
    %dma_wait3A_178 = tpu.memref_slice %arg5[%dma_wait3A_173, %dma_wait3A_177] : memref<200x128xi32, #tpu.memory_space<vmem>> -> memref<1x128xi32, #tpu.memory_space<vmem>>
    %dma_wait3A_179 = tpu.memref_squeeze %dma_wait3A_178 : memref<1x128xi32, #tpu.memory_space<vmem>> -> memref<128xi32, #tpu.memory_space<vmem>>
    %dma_wait3A_180 = arith.constant 0 : i32
    %dma_wait3A_181 = arith.constant 0 : i32
    %dma_wait3A_182 = tpu.memref_slice %arg3[%dma_wait3A_180, %dma_wait3A_181] : memref<16657x128xf32, #tpu.memory_space<hbm>> -> memref<16657x128xf32, #tpu.memory_space<hbm>>
    tpu.wait_indirect_dma semaphore(%arg16 : memref<!tpu.dma_semaphore, #tpu.memory_space<semaphore_mem>>) src(%dma_wait3A_182 : memref<16657x128xf32, #tpu.memory_space<hbm>>) dst(%dma_wait3A_176 : memref<128x128xf32, #tpu.memory_space<vmem>>)
    %add3A_183 = arith.constant 512 : i32
    %add3A_184 = arith.addi %mul3A_2, %add3A_183 : i32
    %dma_start3A_185 = arith.constant 0 : i32
    %dma_start3A_186 = tpu.memref_slice %arg4[%add3A_184, %dma_start3A_185] : memref<819200x128xf32, #tpu.memory_space<hbm>> -> memref<128x128xf32, #tpu.memory_space<hbm>>
    %dma_start3A_187 = arith.constant 0 : i32
    %dma_start3A_188 = tpu.memref_slice %arg4[%add3A_184, %dma_start3A_187] : memref<819200x128xf32, #tpu.memory_space<hbm>> -> memref<128x128xf32, #tpu.memory_space<hbm>>
    tpu.enqueue_dma source(%arg10 : memref<128x128xf32, #tpu.memory_space<vmem>>) target(%dma_start3A_188 : memref<128x128xf32, #tpu.memory_space<hbm>>) target_semaphore(%arg22 : memref<!tpu.dma_semaphore, #tpu.memory_space<semaphore_mem>>)
    %add3A_189 = arith.constant 384 : i32
    %add3A_190 = arith.addi %mul3A_2, %add3A_189 : i32
    %dma_wait3A_191 = arith.constant 0 : i32
    %dma_wait3A_192 = tpu.memref_slice %arg4[%add3A_190, %dma_wait3A_191] : memref<819200x128xf32, #tpu.memory_space<hbm>> -> memref<128x128xf32, #tpu.memory_space<hbm>>
    %dma_wait3A_193 = arith.constant 0 : i32
    %dma_wait3A_194 = tpu.memref_slice %arg4[%add3A_190, %dma_wait3A_193] : memref<819200x128xf32, #tpu.memory_space<hbm>> -> memref<128x128xf32, #tpu.memory_space<hbm>>
    tpu.wait_dma2 semaphore(%arg21 : memref<!tpu.dma_semaphore, #tpu.memory_space<semaphore_mem>>) src(%arg9 : memref<128x128xf32, #tpu.memory_space<vmem>>) dst(%dma_wait3A_194 : memref<128x128xf32, #tpu.memory_space<hbm>>)
    %dma_start3A_195 = arith.constant 9 : i32
    %dma_start3A_196 = arith.constant 0 : i32
    %dma_start3A_197 = arith.constant 0 : i32
    %dma_start3A_198 = tpu.memref_slice %arg9[%dma_start3A_196, %dma_start3A_197] : memref<128x128xf32, #tpu.memory_space<vmem>> -> memref<128x128xf32, #tpu.memory_space<vmem>>
    %dma_start3A_199 = arith.constant 0 : i32
    %dma_start3A_200 = tpu.memref_slice %arg5[%dma_start3A_195, %dma_start3A_199] : memref<200x128xi32, #tpu.memory_space<vmem>> -> memref<1x128xi32, #tpu.memory_space<vmem>>
    %dma_start3A_201 = tpu.memref_squeeze %dma_start3A_200 : memref<1x128xi32, #tpu.memory_space<vmem>> -> memref<128xi32, #tpu.memory_space<vmem>>
    %dma_start3A_202 = arith.constant 0 : i32
    %dma_start3A_203 = arith.constant 0 : i32
    %dma_start3A_204 = tpu.memref_slice %arg3[%dma_start3A_202, %dma_start3A_203] : memref<16657x128xf32, #tpu.memory_space<hbm>> -> memref<16657x128xf32, #tpu.memory_space<hbm>>
    tpu.enqueue_indirect_dma source(%dma_start3A_204 : memref<16657x128xf32, #tpu.memory_space<hbm>>) target(%dma_start3A_198 : memref<128x128xf32, #tpu.memory_space<vmem>>) offsets(%dma_start3A_201 : memref<128xi32, #tpu.memory_space<vmem>>) semaphore(%arg15 : memref<!tpu.dma_semaphore, #tpu.memory_space<semaphore_mem>>)
    %dma_wait3A_205 = arith.constant 5 : i32
    %dma_wait3A_206 = arith.constant 0 : i32
    %dma_wait3A_207 = arith.constant 0 : i32
    %dma_wait3A_208 = tpu.memref_slice %arg11[%dma_wait3A_206, %dma_wait3A_207] : memref<128x128xf32, #tpu.memory_space<vmem>> -> memref<128x128xf32, #tpu.memory_space<vmem>>
    %dma_wait3A_209 = arith.constant 0 : i32
    %dma_wait3A_210 = tpu.memref_slice %arg5[%dma_wait3A_205, %dma_wait3A_209] : memref<200x128xi32, #tpu.memory_space<vmem>> -> memref<1x128xi32, #tpu.memory_space<vmem>>
    %dma_wait3A_211 = tpu.memref_squeeze %dma_wait3A_210 : memref<1x128xi32, #tpu.memory_space<vmem>> -> memref<128xi32, #tpu.memory_space<vmem>>
    %dma_wait3A_212 = arith.constant 0 : i32
    %dma_wait3A_213 = arith.constant 0 : i32
    %dma_wait3A_214 = tpu.memref_slice %arg3[%dma_wait3A_212, %dma_wait3A_213] : memref<16657x128xf32, #tpu.memory_space<hbm>> -> memref<16657x128xf32, #tpu.memory_space<hbm>>
    tpu.wait_indirect_dma semaphore(%arg17 : memref<!tpu.dma_semaphore, #tpu.memory_space<semaphore_mem>>) src(%dma_wait3A_214 : memref<16657x128xf32, #tpu.memory_space<hbm>>) dst(%dma_wait3A_208 : memref<128x128xf32, #tpu.memory_space<vmem>>)
    %add3A_215 = arith.constant 640 : i32
    %add3A_216 = arith.addi %mul3A_2, %add3A_215 : i32
    %dma_start3A_217 = arith.constant 0 : i32
    %dma_start3A_218 = tpu.memref_slice %arg4[%add3A_216, %dma_start3A_217] : memref<819200x128xf32, #tpu.memory_space<hbm>> -> memref<128x128xf32, #tpu.memory_space<hbm>>
    %dma_start3A_219 = arith.constant 0 : i32
    %dma_start3A_220 = tpu.memref_slice %arg4[%add3A_216, %dma_start3A_219] : memref<819200x128xf32, #tpu.memory_space<hbm>> -> memref<128x128xf32, #tpu.memory_space<hbm>>
    tpu.enqueue_dma source(%arg11 : memref<128x128xf32, #tpu.memory_space<vmem>>) target(%dma_start3A_220 : memref<128x128xf32, #tpu.memory_space<hbm>>) target_semaphore(%arg23 : memref<!tpu.dma_semaphore, #tpu.memory_space<semaphore_mem>>)
    %add3A_221 = arith.constant 512 : i32
    %add3A_222 = arith.addi %mul3A_2, %add3A_221 : i32
    %dma_wait3A_223 = arith.constant 0 : i32
    %dma_wait3A_224 = tpu.memref_slice %arg4[%add3A_222, %dma_wait3A_223] : memref<819200x128xf32, #tpu.memory_space<hbm>> -> memref<128x128xf32, #tpu.memory_space<hbm>>
    %dma_wait3A_225 = arith.constant 0 : i32
    %dma_wait3A_226 = tpu.memref_slice %arg4[%add3A_222, %dma_wait3A_225] : memref<819200x128xf32, #tpu.memory_space<hbm>> -> memref<128x128xf32, #tpu.memory_space<hbm>>
    tpu.wait_dma2 semaphore(%arg22 : memref<!tpu.dma_semaphore, #tpu.memory_space<semaphore_mem>>) src(%arg10 : memref<128x128xf32, #tpu.memory_space<vmem>>) dst(%dma_wait3A_226 : memref<128x128xf32, #tpu.memory_space<hbm>>)
    %dma_start3A_227 = arith.constant 10 : i32
    %dma_start3A_228 = arith.constant 0 : i32
    %dma_start3A_229 = arith.constant 0 : i32
    %dma_start3A_230 = tpu.memref_slice %arg10[%dma_start3A_228, %dma_start3A_229] : memref<128x128xf32, #tpu.memory_space<vmem>> -> memref<128x128xf32, #tpu.memory_space<vmem>>
    %dma_start3A_231 = arith.constant 0 : i32
    %dma_start3A_232 = tpu.memref_slice %arg5[%dma_start3A_227, %dma_start3A_231] : memref<200x128xi32, #tpu.memory_space<vmem>> -> memref<1x128xi32, #tpu.memory_space<vmem>>
    %dma_start3A_233 = tpu.memref_squeeze %dma_start3A_232 : memref<1x128xi32, #tpu.memory_space<vmem>> -> memref<128xi32, #tpu.memory_space<vmem>>
    %dma_start3A_234 = arith.constant 0 : i32
    %dma_start3A_235 = arith.constant 0 : i32
    %dma_start3A_236 = tpu.memref_slice %arg3[%dma_start3A_234, %dma_start3A_235] : memref<16657x128xf32, #tpu.memory_space<hbm>> -> memref<16657x128xf32, #tpu.memory_space<hbm>>
    tpu.enqueue_indirect_dma source(%dma_start3A_236 : memref<16657x128xf32, #tpu.memory_space<hbm>>) target(%dma_start3A_230 : memref<128x128xf32, #tpu.memory_space<vmem>>) offsets(%dma_start3A_233 : memref<128xi32, #tpu.memory_space<vmem>>) semaphore(%arg16 : memref<!tpu.dma_semaphore, #tpu.memory_space<semaphore_mem>>)
    %scan3A = arith.constant 0 : i32
    %scan3A_237 = arith.constant 1 : i32
    %scan3A_238 = arith.constant 31 : i32
    %scan3A_239 = arith.addi %scan3A_237, %scan3A_238 : i32
    %scan3A_240 = arith.constant 1 : i32
    scf.for %scan3A_454 = %scan3A_237 to %scan3A_239 step %scan3A_240  : i32 {
      %mul3A_455 = arith.constant 6 : i32
      %mul3A_456 = arith.muli %scan3A_454, %mul3A_455 : i32
      %add3A_457 = arith.constant 0 : i32
      %add3A_458 = arith.addi %mul3A_456, %add3A_457 : i32
      %mul3A_459 = arith.constant 1 : i32
      %mul3A_460 = arith.muli %mul3A_459, %add3A_458 : i32
      %add3A_461 = arith.constant 0 : i32
      %add3A_462 = arith.addi %mul3A_460, %add3A_461 : i32
      %dma_wait3A_463 = arith.constant 0 : i32
      %dma_wait3A_464 = arith.constant 0 : i32
      %dma_wait3A_465 = tpu.memref_slice %arg6[%dma_wait3A_463, %dma_wait3A_464] : memref<128x128xf32, #tpu.memory_space<vmem>> -> memref<128x128xf32, #tpu.memory_space<vmem>>
      %dma_wait3A_466 = arith.constant 0 : i32
      %dma_wait3A_467 = tpu.memref_slice %arg5[%add3A_462, %dma_wait3A_466] : memref<200x128xi32, #tpu.memory_space<vmem>> -> memref<1x128xi32, #tpu.memory_space<vmem>>
      %dma_wait3A_468 = tpu.memref_squeeze %dma_wait3A_467 : memref<1x128xi32, #tpu.memory_space<vmem>> -> memref<128xi32, #tpu.memory_space<vmem>>
      %dma_wait3A_469 = arith.constant 0 : i32
      %dma_wait3A_470 = arith.constant 0 : i32
      %dma_wait3A_471 = tpu.memref_slice %arg3[%dma_wait3A_469, %dma_wait3A_470] : memref<16657x128xf32, #tpu.memory_space<hbm>> -> memref<16657x128xf32, #tpu.memory_space<hbm>>
      tpu.wait_indirect_dma semaphore(%arg12 : memref<!tpu.dma_semaphore, #tpu.memory_space<semaphore_mem>>) src(%dma_wait3A_471 : memref<16657x128xf32, #tpu.memory_space<hbm>>) dst(%dma_wait3A_465 : memref<128x128xf32, #tpu.memory_space<vmem>>)
      %mul3A_472 = arith.constant 128 : i32
      %mul3A_473 = arith.muli %add3A_458, %mul3A_472 : i32
      %add3A_474 = arith.addi %mul3A_2, %mul3A_473 : i32
      %dma_start3A_475 = arith.constant 0 : i32
      %dma_start3A_476 = tpu.memref_slice %arg4[%add3A_474, %dma_start3A_475] : memref<819200x128xf32, #tpu.memory_space<hbm>> -> memref<128x128xf32, #tpu.memory_space<hbm>>
      %dma_start3A_477 = arith.constant 0 : i32
      %dma_start3A_478 = tpu.memref_slice %arg4[%add3A_474, %dma_start3A_477] : memref<819200x128xf32, #tpu.memory_space<hbm>> -> memref<128x128xf32, #tpu.memory_space<hbm>>
      tpu.enqueue_dma source(%arg6 : memref<128x128xf32, #tpu.memory_space<vmem>>) target(%dma_start3A_478 : memref<128x128xf32, #tpu.memory_space<hbm>>) target_semaphore(%arg18 : memref<!tpu.dma_semaphore, #tpu.memory_space<semaphore_mem>>)
      %sub3A = arith.constant 1 : i32
      %sub3A_479 = arith.subi %add3A_458, %sub3A : i32
      %mul3A_480 = arith.constant 128 : i32
      %mul3A_481 = arith.muli %sub3A_479, %mul3A_480 : i32
      %add3A_482 = arith.addi %mul3A_2, %mul3A_481 : i32
      %dma_wait3A_483 = arith.constant 0 : i32
      %dma_wait3A_484 = tpu.memref_slice %arg4[%add3A_482, %dma_wait3A_483] : memref<819200x128xf32, #tpu.memory_space<hbm>> -> memref<128x128xf32, #tpu.memory_space<hbm>>
      %dma_wait3A_485 = arith.constant 0 : i32
      %dma_wait3A_486 = tpu.memref_slice %arg4[%add3A_482, %dma_wait3A_485] : memref<819200x128xf32, #tpu.memory_space<hbm>> -> memref<128x128xf32, #tpu.memory_space<hbm>>
      tpu.wait_dma2 semaphore(%arg23 : memref<!tpu.dma_semaphore, #tpu.memory_space<semaphore_mem>>) src(%arg11 : memref<128x128xf32, #tpu.memory_space<vmem>>) dst(%dma_wait3A_486 : memref<128x128xf32, #tpu.memory_space<hbm>>)
      %add3A_487 = arith.constant 6 : i32
      %add3A_488 = arith.addi %add3A_458, %add3A_487 : i32
      %sub3A_489 = arith.constant 1 : i32
      %sub3A_490 = arith.subi %add3A_488, %sub3A_489 : i32
      %mul3A_491 = arith.constant 1 : i32
      %mul3A_492 = arith.muli %mul3A_491, %sub3A_490 : i32
      %add3A_493 = arith.constant 0 : i32
      %add3A_494 = arith.addi %mul3A_492, %add3A_493 : i32
      %dma_start3A_495 = arith.constant 0 : i32
      %dma_start3A_496 = arith.constant 0 : i32
      %dma_start3A_497 = tpu.memref_slice %arg11[%dma_start3A_495, %dma_start3A_496] : memref<128x128xf32, #tpu.memory_space<vmem>> -> memref<128x128xf32, #tpu.memory_space<vmem>>
      %dma_start3A_498 = arith.constant 0 : i32
      %dma_start3A_499 = tpu.memref_slice %arg5[%add3A_494, %dma_start3A_498] : memref<200x128xi32, #tpu.memory_space<vmem>> -> memref<1x128xi32, #tpu.memory_space<vmem>>
      %dma_start3A_500 = tpu.memref_squeeze %dma_start3A_499 : memref<1x128xi32, #tpu.memory_space<vmem>> -> memref<128xi32, #tpu.memory_space<vmem>>
      %dma_start3A_501 = arith.constant 0 : i32
      %dma_start3A_502 = arith.constant 0 : i32
      %dma_start3A_503 = tpu.memref_slice %arg3[%dma_start3A_501, %dma_start3A_502] : memref<16657x128xf32, #tpu.memory_space<hbm>> -> memref<16657x128xf32, #tpu.memory_space<hbm>>
      tpu.enqueue_indirect_dma source(%dma_start3A_503 : memref<16657x128xf32, #tpu.memory_space<hbm>>) target(%dma_start3A_497 : memref<128x128xf32, #tpu.memory_space<vmem>>) offsets(%dma_start3A_500 : memref<128xi32, #tpu.memory_space<vmem>>) semaphore(%arg17 : memref<!tpu.dma_semaphore, #tpu.memory_space<semaphore_mem>>)
      %mul3A_504 = arith.constant 6 : i32
      %mul3A_505 = arith.muli %scan3A_454, %mul3A_504 : i32
      %add3A_506 = arith.constant 1 : i32
      %add3A_507 = arith.addi %mul3A_505, %add3A_506 : i32
      %mul3A_508 = arith.constant 1 : i32
      %mul3A_509 = arith.muli %mul3A_508, %add3A_507 : i32
      %add3A_510 = arith.constant 0 : i32
      %add3A_511 = arith.addi %mul3A_509, %add3A_510 : i32
      %dma_wait3A_512 = arith.constant 0 : i32
      %dma_wait3A_513 = arith.constant 0 : i32
      %dma_wait3A_514 = tpu.memref_slice %arg7[%dma_wait3A_512, %dma_wait3A_513] : memref<128x128xf32, #tpu.memory_space<vmem>> -> memref<128x128xf32, #tpu.memory_space<vmem>>
      %dma_wait3A_515 = arith.constant 0 : i32
      %dma_wait3A_516 = tpu.memref_slice %arg5[%add3A_511, %dma_wait3A_515] : memref<200x128xi32, #tpu.memory_space<vmem>> -> memref<1x128xi32, #tpu.memory_space<vmem>>
      %dma_wait3A_517 = tpu.memref_squeeze %dma_wait3A_516 : memref<1x128xi32, #tpu.memory_space<vmem>> -> memref<128xi32, #tpu.memory_space<vmem>>
      %dma_wait3A_518 = arith.constant 0 : i32
      %dma_wait3A_519 = arith.constant 0 : i32
      %dma_wait3A_520 = tpu.memref_slice %arg3[%dma_wait3A_518, %dma_wait3A_519] : memref<16657x128xf32, #tpu.memory_space<hbm>> -> memref<16657x128xf32, #tpu.memory_space<hbm>>
      tpu.wait_indirect_dma semaphore(%arg13 : memref<!tpu.dma_semaphore, #tpu.memory_space<semaphore_mem>>) src(%dma_wait3A_520 : memref<16657x128xf32, #tpu.memory_space<hbm>>) dst(%dma_wait3A_514 : memref<128x128xf32, #tpu.memory_space<vmem>>)
      %mul3A_521 = arith.constant 128 : i32
      %mul3A_522 = arith.muli %add3A_507, %mul3A_521 : i32
      %add3A_523 = arith.addi %mul3A_2, %mul3A_522 : i32
      %dma_start3A_524 = arith.constant 0 : i32
      %dma_start3A_525 = tpu.memref_slice %arg4[%add3A_523, %dma_start3A_524] : memref<819200x128xf32, #tpu.memory_space<hbm>> -> memref<128x128xf32, #tpu.memory_space<hbm>>
      %dma_start3A_526 = arith.constant 0 : i32
      %dma_start3A_527 = tpu.memref_slice %arg4[%add3A_523, %dma_start3A_526] : memref<819200x128xf32, #tpu.memory_space<hbm>> -> memref<128x128xf32, #tpu.memory_space<hbm>>
      tpu.enqueue_dma source(%arg7 : memref<128x128xf32, #tpu.memory_space<vmem>>) target(%dma_start3A_527 : memref<128x128xf32, #tpu.memory_space<hbm>>) target_semaphore(%arg19 : memref<!tpu.dma_semaphore, #tpu.memory_space<semaphore_mem>>)
      %sub3A_528 = arith.constant 1 : i32
      %sub3A_529 = arith.subi %add3A_507, %sub3A_528 : i32
      %mul3A_530 = arith.constant 128 : i32
      %mul3A_531 = arith.muli %sub3A_529, %mul3A_530 : i32
      %add3A_532 = arith.addi %mul3A_2, %mul3A_531 : i32
      %dma_wait3A_533 = arith.constant 0 : i32
      %dma_wait3A_534 = tpu.memref_slice %arg4[%add3A_532, %dma_wait3A_533] : memref<819200x128xf32, #tpu.memory_space<hbm>> -> memref<128x128xf32, #tpu.memory_space<hbm>>
      %dma_wait3A_535 = arith.constant 0 : i32
      %dma_wait3A_536 = tpu.memref_slice %arg4[%add3A_532, %dma_wait3A_535] : memref<819200x128xf32, #tpu.memory_space<hbm>> -> memref<128x128xf32, #tpu.memory_space<hbm>>
      tpu.wait_dma2 semaphore(%arg18 : memref<!tpu.dma_semaphore, #tpu.memory_space<semaphore_mem>>) src(%arg6 : memref<128x128xf32, #tpu.memory_space<vmem>>) dst(%dma_wait3A_536 : memref<128x128xf32, #tpu.memory_space<hbm>>)
      %add3A_537 = arith.constant 6 : i32
      %add3A_538 = arith.addi %add3A_507, %add3A_537 : i32
      %sub3A_539 = arith.constant 1 : i32
      %sub3A_540 = arith.subi %add3A_538, %sub3A_539 : i32
      %mul3A_541 = arith.constant 1 : i32
      %mul3A_542 = arith.muli %mul3A_541, %sub3A_540 : i32
      %add3A_543 = arith.constant 0 : i32
      %add3A_544 = arith.addi %mul3A_542, %add3A_543 : i32
      %dma_start3A_545 = arith.constant 0 : i32
      %dma_start3A_546 = arith.constant 0 : i32
      %dma_start3A_547 = tpu.memref_slice %arg6[%dma_start3A_545, %dma_start3A_546] : memref<128x128xf32, #tpu.memory_space<vmem>> -> memref<128x128xf32, #tpu.memory_space<vmem>>
      %dma_start3A_548 = arith.constant 0 : i32
      %dma_start3A_549 = tpu.memref_slice %arg5[%add3A_544, %dma_start3A_548] : memref<200x128xi32, #tpu.memory_space<vmem>> -> memref<1x128xi32, #tpu.memory_space<vmem>>
      %dma_start3A_550 = tpu.memref_squeeze %dma_start3A_549 : memref<1x128xi32, #tpu.memory_space<vmem>> -> memref<128xi32, #tpu.memory_space<vmem>>
      %dma_start3A_551 = arith.constant 0 : i32
      %dma_start3A_552 = arith.constant 0 : i32
      %dma_start3A_553 = tpu.memref_slice %arg3[%dma_start3A_551, %dma_start3A_552] : memref<16657x128xf32, #tpu.memory_space<hbm>> -> memref<16657x128xf32, #tpu.memory_space<hbm>>
      tpu.enqueue_indirect_dma source(%dma_start3A_553 : memref<16657x128xf32, #tpu.memory_space<hbm>>) target(%dma_start3A_547 : memref<128x128xf32, #tpu.memory_space<vmem>>) offsets(%dma_start3A_550 : memref<128xi32, #tpu.memory_space<vmem>>) semaphore(%arg12 : memref<!tpu.dma_semaphore, #tpu.memory_space<semaphore_mem>>)
      %mul3A_554 = arith.constant 6 : i32
      %mul3A_555 = arith.muli %scan3A_454, %mul3A_554 : i32
      %add3A_556 = arith.constant 2 : i32
      %add3A_557 = arith.addi %mul3A_555, %add3A_556 : i32
      %mul3A_558 = arith.constant 1 : i32
      %mul3A_559 = arith.muli %mul3A_558, %add3A_557 : i32
      %add3A_560 = arith.constant 0 : i32
      %add3A_561 = arith.addi %mul3A_559, %add3A_560 : i32
      %dma_wait3A_562 = arith.constant 0 : i32
      %dma_wait3A_563 = arith.constant 0 : i32
      %dma_wait3A_564 = tpu.memref_slice %arg8[%dma_wait3A_562, %dma_wait3A_563] : memref<128x128xf32, #tpu.memory_space<vmem>> -> memref<128x128xf32, #tpu.memory_space<vmem>>
      %dma_wait3A_565 = arith.constant 0 : i32
      %dma_wait3A_566 = tpu.memref_slice %arg5[%add3A_561, %dma_wait3A_565] : memref<200x128xi32, #tpu.memory_space<vmem>> -> memref<1x128xi32, #tpu.memory_space<vmem>>
      %dma_wait3A_567 = tpu.memref_squeeze %dma_wait3A_566 : memref<1x128xi32, #tpu.memory_space<vmem>> -> memref<128xi32, #tpu.memory_space<vmem>>
      %dma_wait3A_568 = arith.constant 0 : i32
      %dma_wait3A_569 = arith.constant 0 : i32
      %dma_wait3A_570 = tpu.memref_slice %arg3[%dma_wait3A_568, %dma_wait3A_569] : memref<16657x128xf32, #tpu.memory_space<hbm>> -> memref<16657x128xf32, #tpu.memory_space<hbm>>
      tpu.wait_indirect_dma semaphore(%arg14 : memref<!tpu.dma_semaphore, #tpu.memory_space<semaphore_mem>>) src(%dma_wait3A_570 : memref<16657x128xf32, #tpu.memory_space<hbm>>) dst(%dma_wait3A_564 : memref<128x128xf32, #tpu.memory_space<vmem>>)
      %mul3A_571 = arith.constant 128 : i32
      %mul3A_572 = arith.muli %add3A_557, %mul3A_571 : i32
      %add3A_573 = arith.addi %mul3A_2, %mul3A_572 : i32
      %dma_start3A_574 = arith.constant 0 : i32
      %dma_start3A_575 = tpu.memref_slice %arg4[%add3A_573, %dma_start3A_574] : memref<819200x128xf32, #tpu.memory_space<hbm>> -> memref<128x128xf32, #tpu.memory_space<hbm>>
      %dma_start3A_576 = arith.constant 0 : i32
      %dma_start3A_577 = tpu.memref_slice %arg4[%add3A_573, %dma_start3A_576] : memref<819200x128xf32, #tpu.memory_space<hbm>> -> memref<128x128xf32, #tpu.memory_space<hbm>>
      tpu.enqueue_dma source(%arg8 : memref<128x128xf32, #tpu.memory_space<vmem>>) target(%dma_start3A_577 : memref<128x128xf32, #tpu.memory_space<hbm>>) target_semaphore(%arg20 : memref<!tpu.dma_semaphore, #tpu.memory_space<semaphore_mem>>)
      %sub3A_578 = arith.constant 1 : i32
      %sub3A_579 = arith.subi %add3A_557, %sub3A_578 : i32
      %mul3A_580 = arith.constant 128 : i32
      %mul3A_581 = arith.muli %sub3A_579, %mul3A_580 : i32
      %add3A_582 = arith.addi %mul3A_2, %mul3A_581 : i32
      %dma_wait3A_583 = arith.constant 0 : i32
      %dma_wait3A_584 = tpu.memref_slice %arg4[%add3A_582, %dma_wait3A_583] : memref<819200x128xf32, #tpu.memory_space<hbm>> -> memref<128x128xf32, #tpu.memory_space<hbm>>
      %dma_wait3A_585 = arith.constant 0 : i32
      %dma_wait3A_586 = tpu.memref_slice %arg4[%add3A_582, %dma_wait3A_585] : memref<819200x128xf32, #tpu.memory_space<hbm>> -> memref<128x128xf32, #tpu.memory_space<hbm>>
      tpu.wait_dma2 semaphore(%arg19 : memref<!tpu.dma_semaphore, #tpu.memory_space<semaphore_mem>>) src(%arg7 : memref<128x128xf32, #tpu.memory_space<vmem>>) dst(%dma_wait3A_586 : memref<128x128xf32, #tpu.memory_space<hbm>>)
      %add3A_587 = arith.constant 6 : i32
      %add3A_588 = arith.addi %add3A_557, %add3A_587 : i32
      %sub3A_589 = arith.constant 1 : i32
      %sub3A_590 = arith.subi %add3A_588, %sub3A_589 : i32
      %mul3A_591 = arith.constant 1 : i32
      %mul3A_592 = arith.muli %mul3A_591, %sub3A_590 : i32
      %add3A_593 = arith.constant 0 : i32
      %add3A_594 = arith.addi %mul3A_592, %add3A_593 : i32
      %dma_start3A_595 = arith.constant 0 : i32
      %dma_start3A_596 = arith.constant 0 : i32
      %dma_start3A_597 = tpu.memref_slice %arg7[%dma_start3A_595, %dma_start3A_596] : memref<128x128xf32, #tpu.memory_space<vmem>> -> memref<128x128xf32, #tpu.memory_space<vmem>>
      %dma_start3A_598 = arith.constant 0 : i32
      %dma_start3A_599 = tpu.memref_slice %arg5[%add3A_594, %dma_start3A_598] : memref<200x128xi32, #tpu.memory_space<vmem>> -> memref<1x128xi32, #tpu.memory_space<vmem>>
      %dma_start3A_600 = tpu.memref_squeeze %dma_start3A_599 : memref<1x128xi32, #tpu.memory_space<vmem>> -> memref<128xi32, #tpu.memory_space<vmem>>
      %dma_start3A_601 = arith.constant 0 : i32
      %dma_start3A_602 = arith.constant 0 : i32
      %dma_start3A_603 = tpu.memref_slice %arg3[%dma_start3A_601, %dma_start3A_602] : memref<16657x128xf32, #tpu.memory_space<hbm>> -> memref<16657x128xf32, #tpu.memory_space<hbm>>
      tpu.enqueue_indirect_dma source(%dma_start3A_603 : memref<16657x128xf32, #tpu.memory_space<hbm>>) target(%dma_start3A_597 : memref<128x128xf32, #tpu.memory_space<vmem>>) offsets(%dma_start3A_600 : memref<128xi32, #tpu.memory_space<vmem>>) semaphore(%arg13 : memref<!tpu.dma_semaphore, #tpu.memory_space<semaphore_mem>>)
      %mul3A_604 = arith.constant 6 : i32
      %mul3A_605 = arith.muli %scan3A_454, %mul3A_604 : i32
      %add3A_606 = arith.constant 3 : i32
      %add3A_607 = arith.addi %mul3A_605, %add3A_606 : i32
      %mul3A_608 = arith.constant 1 : i32
      %mul3A_609 = arith.muli %mul3A_608, %add3A_607 : i32
      %add3A_610 = arith.constant 0 : i32
      %add3A_611 = arith.addi %mul3A_609, %add3A_610 : i32
      %dma_wait3A_612 = arith.constant 0 : i32
      %dma_wait3A_613 = arith.constant 0 : i32
      %dma_wait3A_614 = tpu.memref_slice %arg9[%dma_wait3A_612, %dma_wait3A_613] : memref<128x128xf32, #tpu.memory_space<vmem>> -> memref<128x128xf32, #tpu.memory_space<vmem>>
      %dma_wait3A_615 = arith.constant 0 : i32
      %dma_wait3A_616 = tpu.memref_slice %arg5[%add3A_611, %dma_wait3A_615] : memref<200x128xi32, #tpu.memory_space<vmem>> -> memref<1x128xi32, #tpu.memory_space<vmem>>
      %dma_wait3A_617 = tpu.memref_squeeze %dma_wait3A_616 : memref<1x128xi32, #tpu.memory_space<vmem>> -> memref<128xi32, #tpu.memory_space<vmem>>
      %dma_wait3A_618 = arith.constant 0 : i32
      %dma_wait3A_619 = arith.constant 0 : i32
      %dma_wait3A_620 = tpu.memref_slice %arg3[%dma_wait3A_618, %dma_wait3A_619] : memref<16657x128xf32, #tpu.memory_space<hbm>> -> memref<16657x128xf32, #tpu.memory_space<hbm>>
      tpu.wait_indirect_dma semaphore(%arg15 : memref<!tpu.dma_semaphore, #tpu.memory_space<semaphore_mem>>) src(%dma_wait3A_620 : memref<16657x128xf32, #tpu.memory_space<hbm>>) dst(%dma_wait3A_614 : memref<128x128xf32, #tpu.memory_space<vmem>>)
      %mul3A_621 = arith.constant 128 : i32
      %mul3A_622 = arith.muli %add3A_607, %mul3A_621 : i32
      %add3A_623 = arith.addi %mul3A_2, %mul3A_622 : i32
      %dma_start3A_624 = arith.constant 0 : i32
      %dma_start3A_625 = tpu.memref_slice %arg4[%add3A_623, %dma_start3A_624] : memref<819200x128xf32, #tpu.memory_space<hbm>> -> memref<128x128xf32, #tpu.memory_space<hbm>>
      %dma_start3A_626 = arith.constant 0 : i32
      %dma_start3A_627 = tpu.memref_slice %arg4[%add3A_623, %dma_start3A_626] : memref<819200x128xf32, #tpu.memory_space<hbm>> -> memref<128x128xf32, #tpu.memory_space<hbm>>
      tpu.enqueue_dma source(%arg9 : memref<128x128xf32, #tpu.memory_space<vmem>>) target(%dma_start3A_627 : memref<128x128xf32, #tpu.memory_space<hbm>>) target_semaphore(%arg21 : memref<!tpu.dma_semaphore, #tpu.memory_space<semaphore_mem>>)
      %sub3A_628 = arith.constant 1 : i32
      %sub3A_629 = arith.subi %add3A_607, %sub3A_628 : i32
      %mul3A_630 = arith.constant 128 : i32
      %mul3A_631 = arith.muli %sub3A_629, %mul3A_630 : i32
      %add3A_632 = arith.addi %mul3A_2, %mul3A_631 : i32
      %dma_wait3A_633 = arith.constant 0 : i32
      %dma_wait3A_634 = tpu.memref_slice %arg4[%add3A_632, %dma_wait3A_633] : memref<819200x128xf32, #tpu.memory_space<hbm>> -> memref<128x128xf32, #tpu.memory_space<hbm>>
      %dma_wait3A_635 = arith.constant 0 : i32
      %dma_wait3A_636 = tpu.memref_slice %arg4[%add3A_632, %dma_wait3A_635] : memref<819200x128xf32, #tpu.memory_space<hbm>> -> memref<128x128xf32, #tpu.memory_space<hbm>>
      tpu.wait_dma2 semaphore(%arg20 : memref<!tpu.dma_semaphore, #tpu.memory_space<semaphore_mem>>) src(%arg8 : memref<128x128xf32, #tpu.memory_space<vmem>>) dst(%dma_wait3A_636 : memref<128x128xf32, #tpu.memory_space<hbm>>)
      %add3A_637 = arith.constant 6 : i32
      %add3A_638 = arith.addi %add3A_607, %add3A_637 : i32
      %sub3A_639 = arith.constant 1 : i32
      %sub3A_640 = arith.subi %add3A_638, %sub3A_639 : i32
      %mul3A_641 = arith.constant 1 : i32
      %mul3A_642 = arith.muli %mul3A_641, %sub3A_640 : i32
      %add3A_643 = arith.constant 0 : i32
      %add3A_644 = arith.addi %mul3A_642, %add3A_643 : i32
      %dma_start3A_645 = arith.constant 0 : i32
      %dma_start3A_646 = arith.constant 0 : i32
      %dma_start3A_647 = tpu.memref_slice %arg8[%dma_start3A_645, %dma_start3A_646] : memref<128x128xf32, #tpu.memory_space<vmem>> -> memref<128x128xf32, #tpu.memory_space<vmem>>
      %dma_start3A_648 = arith.constant 0 : i32
      %dma_start3A_649 = tpu.memref_slice %arg5[%add3A_644, %dma_start3A_648] : memref<200x128xi32, #tpu.memory_space<vmem>> -> memref<1x128xi32, #tpu.memory_space<vmem>>
      %dma_start3A_650 = tpu.memref_squeeze %dma_start3A_649 : memref<1x128xi32, #tpu.memory_space<vmem>> -> memref<128xi32, #tpu.memory_space<vmem>>
      %dma_start3A_651 = arith.constant 0 : i32
      %dma_start3A_652 = arith.constant 0 : i32
      %dma_start3A_653 = tpu.memref_slice %arg3[%dma_start3A_651, %dma_start3A_652] : memref<16657x128xf32, #tpu.memory_space<hbm>> -> memref<16657x128xf32, #tpu.memory_space<hbm>>
      tpu.enqueue_indirect_dma source(%dma_start3A_653 : memref<16657x128xf32, #tpu.memory_space<hbm>>) target(%dma_start3A_647 : memref<128x128xf32, #tpu.memory_space<vmem>>) offsets(%dma_start3A_650 : memref<128xi32, #tpu.memory_space<vmem>>) semaphore(%arg14 : memref<!tpu.dma_semaphore, #tpu.memory_space<semaphore_mem>>)
      %mul3A_654 = arith.constant 6 : i32
      %mul3A_655 = arith.muli %scan3A_454, %mul3A_654 : i32
      %add3A_656 = arith.constant 4 : i32
      %add3A_657 = arith.addi %mul3A_655, %add3A_656 : i32
      %mul3A_658 = arith.constant 1 : i32
      %mul3A_659 = arith.muli %mul3A_658, %add3A_657 : i32
      %add3A_660 = arith.constant 0 : i32
      %add3A_661 = arith.addi %mul3A_659, %add3A_660 : i32
      %dma_wait3A_662 = arith.constant 0 : i32
      %dma_wait3A_663 = arith.constant 0 : i32
      %dma_wait3A_664 = tpu.memref_slice %arg10[%dma_wait3A_662, %dma_wait3A_663] : memref<128x128xf32, #tpu.memory_space<vmem>> -> memref<128x128xf32, #tpu.memory_space<vmem>>
      %dma_wait3A_665 = arith.constant 0 : i32
      %dma_wait3A_666 = tpu.memref_slice %arg5[%add3A_661, %dma_wait3A_665] : memref<200x128xi32, #tpu.memory_space<vmem>> -> memref<1x128xi32, #tpu.memory_space<vmem>>
      %dma_wait3A_667 = tpu.memref_squeeze %dma_wait3A_666 : memref<1x128xi32, #tpu.memory_space<vmem>> -> memref<128xi32, #tpu.memory_space<vmem>>
      %dma_wait3A_668 = arith.constant 0 : i32
      %dma_wait3A_669 = arith.constant 0 : i32
      %dma_wait3A_670 = tpu.memref_slice %arg3[%dma_wait3A_668, %dma_wait3A_669] : memref<16657x128xf32, #tpu.memory_space<hbm>> -> memref<16657x128xf32, #tpu.memory_space<hbm>>
      tpu.wait_indirect_dma semaphore(%arg16 : memref<!tpu.dma_semaphore, #tpu.memory_space<semaphore_mem>>) src(%dma_wait3A_670 : memref<16657x128xf32, #tpu.memory_space<hbm>>) dst(%dma_wait3A_664 : memref<128x128xf32, #tpu.memory_space<vmem>>)
      %mul3A_671 = arith.constant 128 : i32
      %mul3A_672 = arith.muli %add3A_657, %mul3A_671 : i32
      %add3A_673 = arith.addi %mul3A_2, %mul3A_672 : i32
      %dma_start3A_674 = arith.constant 0 : i32
      %dma_start3A_675 = tpu.memref_slice %arg4[%add3A_673, %dma_start3A_674] : memref<819200x128xf32, #tpu.memory_space<hbm>> -> memref<128x128xf32, #tpu.memory_space<hbm>>
      %dma_start3A_676 = arith.constant 0 : i32
      %dma_start3A_677 = tpu.memref_slice %arg4[%add3A_673, %dma_start3A_676] : memref<819200x128xf32, #tpu.memory_space<hbm>> -> memref<128x128xf32, #tpu.memory_space<hbm>>
      tpu.enqueue_dma source(%arg10 : memref<128x128xf32, #tpu.memory_space<vmem>>) target(%dma_start3A_677 : memref<128x128xf32, #tpu.memory_space<hbm>>) target_semaphore(%arg22 : memref<!tpu.dma_semaphore, #tpu.memory_space<semaphore_mem>>)
      %sub3A_678 = arith.constant 1 : i32
      %sub3A_679 = arith.subi %add3A_657, %sub3A_678 : i32
      %mul3A_680 = arith.constant 128 : i32
      %mul3A_681 = arith.muli %sub3A_679, %mul3A_680 : i32
      %add3A_682 = arith.addi %mul3A_2, %mul3A_681 : i32
      %dma_wait3A_683 = arith.constant 0 : i32
      %dma_wait3A_684 = tpu.memref_slice %arg4[%add3A_682, %dma_wait3A_683] : memref<819200x128xf32, #tpu.memory_space<hbm>> -> memref<128x128xf32, #tpu.memory_space<hbm>>
      %dma_wait3A_685 = arith.constant 0 : i32
      %dma_wait3A_686 = tpu.memref_slice %arg4[%add3A_682, %dma_wait3A_685] : memref<819200x128xf32, #tpu.memory_space<hbm>> -> memref<128x128xf32, #tpu.memory_space<hbm>>
      tpu.wait_dma2 semaphore(%arg21 : memref<!tpu.dma_semaphore, #tpu.memory_space<semaphore_mem>>) src(%arg9 : memref<128x128xf32, #tpu.memory_space<vmem>>) dst(%dma_wait3A_686 : memref<128x128xf32, #tpu.memory_space<hbm>>)
      %add3A_687 = arith.constant 6 : i32
      %add3A_688 = arith.addi %add3A_657, %add3A_687 : i32
      %sub3A_689 = arith.constant 1 : i32
      %sub3A_690 = arith.subi %add3A_688, %sub3A_689 : i32
      %mul3A_691 = arith.constant 1 : i32
      %mul3A_692 = arith.muli %mul3A_691, %sub3A_690 : i32
      %add3A_693 = arith.constant 0 : i32
      %add3A_694 = arith.addi %mul3A_692, %add3A_693 : i32
      %dma_start3A_695 = arith.constant 0 : i32
      %dma_start3A_696 = arith.constant 0 : i32
      %dma_start3A_697 = tpu.memref_slice %arg9[%dma_start3A_695, %dma_start3A_696] : memref<128x128xf32, #tpu.memory_space<vmem>> -> memref<128x128xf32, #tpu.memory_space<vmem>>
      %dma_start3A_698 = arith.constant 0 : i32
      %dma_start3A_699 = tpu.memref_slice %arg5[%add3A_694, %dma_start3A_698] : memref<200x128xi32, #tpu.memory_space<vmem>> -> memref<1x128xi32, #tpu.memory_space<vmem>>
      %dma_start3A_700 = tpu.memref_squeeze %dma_start3A_699 : memref<1x128xi32, #tpu.memory_space<vmem>> -> memref<128xi32, #tpu.memory_space<vmem>>
      %dma_start3A_701 = arith.constant 0 : i32
      %dma_start3A_702 = arith.constant 0 : i32
      %dma_start3A_703 = tpu.memref_slice %arg3[%dma_start3A_701, %dma_start3A_702] : memref<16657x128xf32, #tpu.memory_space<hbm>> -> memref<16657x128xf32, #tpu.memory_space<hbm>>
      tpu.enqueue_indirect_dma source(%dma_start3A_703 : memref<16657x128xf32, #tpu.memory_space<hbm>>) target(%dma_start3A_697 : memref<128x128xf32, #tpu.memory_space<vmem>>) offsets(%dma_start3A_700 : memref<128xi32, #tpu.memory_space<vmem>>) semaphore(%arg15 : memref<!tpu.dma_semaphore, #tpu.memory_space<semaphore_mem>>)
      %mul3A_704 = arith.constant 6 : i32
      %mul3A_705 = arith.muli %scan3A_454, %mul3A_704 : i32
      %add3A_706 = arith.constant 5 : i32
      %add3A_707 = arith.addi %mul3A_705, %add3A_706 : i32
      %mul3A_708 = arith.constant 1 : i32
      %mul3A_709 = arith.muli %mul3A_708, %add3A_707 : i32
      %add3A_710 = arith.constant 0 : i32
      %add3A_711 = arith.addi %mul3A_709, %add3A_710 : i32
      %dma_wait3A_712 = arith.constant 0 : i32
      %dma_wait3A_713 = arith.constant 0 : i32
      %dma_wait3A_714 = tpu.memref_slice %arg11[%dma_wait3A_712, %dma_wait3A_713] : memref<128x128xf32, #tpu.memory_space<vmem>> -> memref<128x128xf32, #tpu.memory_space<vmem>>
      %dma_wait3A_715 = arith.constant 0 : i32
      %dma_wait3A_716 = tpu.memref_slice %arg5[%add3A_711, %dma_wait3A_715] : memref<200x128xi32, #tpu.memory_space<vmem>> -> memref<1x128xi32, #tpu.memory_space<vmem>>
      %dma_wait3A_717 = tpu.memref_squeeze %dma_wait3A_716 : memref<1x128xi32, #tpu.memory_space<vmem>> -> memref<128xi32, #tpu.memory_space<vmem>>
      %dma_wait3A_718 = arith.constant 0 : i32
      %dma_wait3A_719 = arith.constant 0 : i32
      %dma_wait3A_720 = tpu.memref_slice %arg3[%dma_wait3A_718, %dma_wait3A_719] : memref<16657x128xf32, #tpu.memory_space<hbm>> -> memref<16657x128xf32, #tpu.memory_space<hbm>>
      tpu.wait_indirect_dma semaphore(%arg17 : memref<!tpu.dma_semaphore, #tpu.memory_space<semaphore_mem>>) src(%dma_wait3A_720 : memref<16657x128xf32, #tpu.memory_space<hbm>>) dst(%dma_wait3A_714 : memref<128x128xf32, #tpu.memory_space<vmem>>)
      %mul3A_721 = arith.constant 128 : i32
      %mul3A_722 = arith.muli %add3A_707, %mul3A_721 : i32
      %add3A_723 = arith.addi %mul3A_2, %mul3A_722 : i32
      %dma_start3A_724 = arith.constant 0 : i32
      %dma_start3A_725 = tpu.memref_slice %arg4[%add3A_723, %dma_start3A_724] : memref<819200x128xf32, #tpu.memory_space<hbm>> -> memref<128x128xf32, #tpu.memory_space<hbm>>
      %dma_start3A_726 = arith.constant 0 : i32
      %dma_start3A_727 = tpu.memref_slice %arg4[%add3A_723, %dma_start3A_726] : memref<819200x128xf32, #tpu.memory_space<hbm>> -> memref<128x128xf32, #tpu.memory_space<hbm>>
      tpu.enqueue_dma source(%arg11 : memref<128x128xf32, #tpu.memory_space<vmem>>) target(%dma_start3A_727 : memref<128x128xf32, #tpu.memory_space<hbm>>) target_semaphore(%arg23 : memref<!tpu.dma_semaphore, #tpu.memory_space<semaphore_mem>>)
      %sub3A_728 = arith.constant 1 : i32
      %sub3A_729 = arith.subi %add3A_707, %sub3A_728 : i32
      %mul3A_730 = arith.constant 128 : i32
      %mul3A_731 = arith.muli %sub3A_729, %mul3A_730 : i32
      %add3A_732 = arith.addi %mul3A_2, %mul3A_731 : i32
      %dma_wait3A_733 = arith.constant 0 : i32
      %dma_wait3A_734 = tpu.memref_slice %arg4[%add3A_732, %dma_wait3A_733] : memref<819200x128xf32, #tpu.memory_space<hbm>> -> memref<128x128xf32, #tpu.memory_space<hbm>>
      %dma_wait3A_735 = arith.constant 0 : i32
      %dma_wait3A_736 = tpu.memref_slice %arg4[%add3A_732, %dma_wait3A_735] : memref<819200x128xf32, #tpu.memory_space<hbm>> -> memref<128x128xf32, #tpu.memory_space<hbm>>
      tpu.wait_dma2 semaphore(%arg22 : memref<!tpu.dma_semaphore, #tpu.memory_space<semaphore_mem>>) src(%arg10 : memref<128x128xf32, #tpu.memory_space<vmem>>) dst(%dma_wait3A_736 : memref<128x128xf32, #tpu.memory_space<hbm>>)
      %add3A_737 = arith.constant 6 : i32
      %add3A_738 = arith.addi %add3A_707, %add3A_737 : i32
      %sub3A_739 = arith.constant 1 : i32
      %sub3A_740 = arith.subi %add3A_738, %sub3A_739 : i32
      %mul3A_741 = arith.constant 1 : i32
      %mul3A_742 = arith.muli %mul3A_741, %sub3A_740 : i32
      %add3A_743 = arith.constant 0 : i32
      %add3A_744 = arith.addi %mul3A_742, %add3A_743 : i32
      %dma_start3A_745 = arith.constant 0 : i32
      %dma_start3A_746 = arith.constant 0 : i32
      %dma_start3A_747 = tpu.memref_slice %arg10[%dma_start3A_745, %dma_start3A_746] : memref<128x128xf32, #tpu.memory_space<vmem>> -> memref<128x128xf32, #tpu.memory_space<vmem>>
      %dma_start3A_748 = arith.constant 0 : i32
      %dma_start3A_749 = tpu.memref_slice %arg5[%add3A_744, %dma_start3A_748] : memref<200x128xi32, #tpu.memory_space<vmem>> -> memref<1x128xi32, #tpu.memory_space<vmem>>
      %dma_start3A_750 = tpu.memref_squeeze %dma_start3A_749 : memref<1x128xi32, #tpu.memory_space<vmem>> -> memref<128xi32, #tpu.memory_space<vmem>>
      %dma_start3A_751 = arith.constant 0 : i32
      %dma_start3A_752 = arith.constant 0 : i32
      %dma_start3A_753 = tpu.memref_slice %arg3[%dma_start3A_751, %dma_start3A_752] : memref<16657x128xf32, #tpu.memory_space<hbm>> -> memref<16657x128xf32, #tpu.memory_space<hbm>>
      tpu.enqueue_indirect_dma source(%dma_start3A_753 : memref<16657x128xf32, #tpu.memory_space<hbm>>) target(%dma_start3A_747 : memref<128x128xf32, #tpu.memory_space<vmem>>) offsets(%dma_start3A_750 : memref<128xi32, #tpu.memory_space<vmem>>) semaphore(%arg16 : memref<!tpu.dma_semaphore, #tpu.memory_space<semaphore_mem>>)
    }
    %scan3A_241 = arith.constant 31 : i32
    %dma_wait3A_242 = arith.constant 192 : i32
    %dma_wait3A_243 = arith.constant 0 : i32
    %dma_wait3A_244 = arith.constant 0 : i32
    %dma_wait3A_245 = tpu.memref_slice %arg6[%dma_wait3A_243, %dma_wait3A_244] : memref<128x128xf32, #tpu.memory_space<vmem>> -> memref<128x128xf32, #tpu.memory_space<vmem>>
    %dma_wait3A_246 = arith.constant 0 : i32
    %dma_wait3A_247 = tpu.memref_slice %arg5[%dma_wait3A_242, %dma_wait3A_246] : memref<200x128xi32, #tpu.memory_space<vmem>> -> memref<1x128xi32, #tpu.memory_space<vmem>>
    %dma_wait3A_248 = tpu.memref_squeeze %dma_wait3A_247 : memref<1x128xi32, #tpu.memory_space<vmem>> -> memref<128xi32, #tpu.memory_space<vmem>>
    %dma_wait3A_249 = arith.constant 0 : i32
    %dma_wait3A_250 = arith.constant 0 : i32
    %dma_wait3A_251 = tpu.memref_slice %arg3[%dma_wait3A_249, %dma_wait3A_250] : memref<16657x128xf32, #tpu.memory_space<hbm>> -> memref<16657x128xf32, #tpu.memory_space<hbm>>
    tpu.wait_indirect_dma semaphore(%arg12 : memref<!tpu.dma_semaphore, #tpu.memory_space<semaphore_mem>>) src(%dma_wait3A_251 : memref<16657x128xf32, #tpu.memory_space<hbm>>) dst(%dma_wait3A_245 : memref<128x128xf32, #tpu.memory_space<vmem>>)
    %add3A_252 = arith.constant 24576 : i32
    %add3A_253 = arith.addi %mul3A_2, %add3A_252 : i32
    %dma_start3A_254 = arith.constant 0 : i32
    %dma_start3A_255 = tpu.memref_slice %arg4[%add3A_253, %dma_start3A_254] : memref<819200x128xf32, #tpu.memory_space<hbm>> -> memref<128x128xf32, #tpu.memory_space<hbm>>
    %dma_start3A_256 = arith.constant 0 : i32
    %dma_start3A_257 = tpu.memref_slice %arg4[%add3A_253, %dma_start3A_256] : memref<819200x128xf32, #tpu.memory_space<hbm>> -> memref<128x128xf32, #tpu.memory_space<hbm>>
    tpu.enqueue_dma source(%arg6 : memref<128x128xf32, #tpu.memory_space<vmem>>) target(%dma_start3A_257 : memref<128x128xf32, #tpu.memory_space<hbm>>) target_semaphore(%arg18 : memref<!tpu.dma_semaphore, #tpu.memory_space<semaphore_mem>>)
    %add3A_258 = arith.constant 24448 : i32
    %add3A_259 = arith.addi %mul3A_2, %add3A_258 : i32
    %dma_wait3A_260 = arith.constant 0 : i32
    %dma_wait3A_261 = tpu.memref_slice %arg4[%add3A_259, %dma_wait3A_260] : memref<819200x128xf32, #tpu.memory_space<hbm>> -> memref<128x128xf32, #tpu.memory_space<hbm>>
    %dma_wait3A_262 = arith.constant 0 : i32
    %dma_wait3A_263 = tpu.memref_slice %arg4[%add3A_259, %dma_wait3A_262] : memref<819200x128xf32, #tpu.memory_space<hbm>> -> memref<128x128xf32, #tpu.memory_space<hbm>>
    tpu.wait_dma2 semaphore(%arg23 : memref<!tpu.dma_semaphore, #tpu.memory_space<semaphore_mem>>) src(%arg11 : memref<128x128xf32, #tpu.memory_space<vmem>>) dst(%dma_wait3A_263 : memref<128x128xf32, #tpu.memory_space<hbm>>)
    %dma_start3A_264 = arith.constant 197 : i32
    %dma_start3A_265 = arith.constant 0 : i32
    %dma_start3A_266 = arith.constant 0 : i32
    %dma_start3A_267 = tpu.memref_slice %arg11[%dma_start3A_265, %dma_start3A_266] : memref<128x128xf32, #tpu.memory_space<vmem>> -> memref<128x128xf32, #tpu.memory_space<vmem>>
    %dma_start3A_268 = arith.constant 0 : i32
    %dma_start3A_269 = tpu.memref_slice %arg5[%dma_start3A_264, %dma_start3A_268] : memref<200x128xi32, #tpu.memory_space<vmem>> -> memref<1x128xi32, #tpu.memory_space<vmem>>
    %dma_start3A_270 = tpu.memref_squeeze %dma_start3A_269 : memref<1x128xi32, #tpu.memory_space<vmem>> -> memref<128xi32, #tpu.memory_space<vmem>>
    %dma_start3A_271 = arith.constant 0 : i32
    %dma_start3A_272 = arith.constant 0 : i32
    %dma_start3A_273 = tpu.memref_slice %arg3[%dma_start3A_271, %dma_start3A_272] : memref<16657x128xf32, #tpu.memory_space<hbm>> -> memref<16657x128xf32, #tpu.memory_space<hbm>>
    tpu.enqueue_indirect_dma source(%dma_start3A_273 : memref<16657x128xf32, #tpu.memory_space<hbm>>) target(%dma_start3A_267 : memref<128x128xf32, #tpu.memory_space<vmem>>) offsets(%dma_start3A_270 : memref<128xi32, #tpu.memory_space<vmem>>) semaphore(%arg17 : memref<!tpu.dma_semaphore, #tpu.memory_space<semaphore_mem>>)
    %dma_wait3A_274 = arith.constant 193 : i32
    %dma_wait3A_275 = arith.constant 0 : i32
    %dma_wait3A_276 = arith.constant 0 : i32
    %dma_wait3A_277 = tpu.memref_slice %arg7[%dma_wait3A_275, %dma_wait3A_276] : memref<128x128xf32, #tpu.memory_space<vmem>> -> memref<128x128xf32, #tpu.memory_space<vmem>>
    %dma_wait3A_278 = arith.constant 0 : i32
    %dma_wait3A_279 = tpu.memref_slice %arg5[%dma_wait3A_274, %dma_wait3A_278] : memref<200x128xi32, #tpu.memory_space<vmem>> -> memref<1x128xi32, #tpu.memory_space<vmem>>
    %dma_wait3A_280 = tpu.memref_squeeze %dma_wait3A_279 : memref<1x128xi32, #tpu.memory_space<vmem>> -> memref<128xi32, #tpu.memory_space<vmem>>
    %dma_wait3A_281 = arith.constant 0 : i32
    %dma_wait3A_282 = arith.constant 0 : i32
    %dma_wait3A_283 = tpu.memref_slice %arg3[%dma_wait3A_281, %dma_wait3A_282] : memref<16657x128xf32, #tpu.memory_space<hbm>> -> memref<16657x128xf32, #tpu.memory_space<hbm>>
    tpu.wait_indirect_dma semaphore(%arg13 : memref<!tpu.dma_semaphore, #tpu.memory_space<semaphore_mem>>) src(%dma_wait3A_283 : memref<16657x128xf32, #tpu.memory_space<hbm>>) dst(%dma_wait3A_277 : memref<128x128xf32, #tpu.memory_space<vmem>>)
    %add3A_284 = arith.constant 24704 : i32
    %add3A_285 = arith.addi %mul3A_2, %add3A_284 : i32
    %dma_start3A_286 = arith.constant 0 : i32
    %dma_start3A_287 = tpu.memref_slice %arg4[%add3A_285, %dma_start3A_286] : memref<819200x128xf32, #tpu.memory_space<hbm>> -> memref<128x128xf32, #tpu.memory_space<hbm>>
    %dma_start3A_288 = arith.constant 0 : i32
    %dma_start3A_289 = tpu.memref_slice %arg4[%add3A_285, %dma_start3A_288] : memref<819200x128xf32, #tpu.memory_space<hbm>> -> memref<128x128xf32, #tpu.memory_space<hbm>>
    tpu.enqueue_dma source(%arg7 : memref<128x128xf32, #tpu.memory_space<vmem>>) target(%dma_start3A_289 : memref<128x128xf32, #tpu.memory_space<hbm>>) target_semaphore(%arg19 : memref<!tpu.dma_semaphore, #tpu.memory_space<semaphore_mem>>)
    %add3A_290 = arith.constant 24576 : i32
    %add3A_291 = arith.addi %mul3A_2, %add3A_290 : i32
    %dma_wait3A_292 = arith.constant 0 : i32
    %dma_wait3A_293 = tpu.memref_slice %arg4[%add3A_291, %dma_wait3A_292] : memref<819200x128xf32, #tpu.memory_space<hbm>> -> memref<128x128xf32, #tpu.memory_space<hbm>>
    %dma_wait3A_294 = arith.constant 0 : i32
    %dma_wait3A_295 = tpu.memref_slice %arg4[%add3A_291, %dma_wait3A_294] : memref<819200x128xf32, #tpu.memory_space<hbm>> -> memref<128x128xf32, #tpu.memory_space<hbm>>
    tpu.wait_dma2 semaphore(%arg18 : memref<!tpu.dma_semaphore, #tpu.memory_space<semaphore_mem>>) src(%arg6 : memref<128x128xf32, #tpu.memory_space<vmem>>) dst(%dma_wait3A_295 : memref<128x128xf32, #tpu.memory_space<hbm>>)
    %dma_start3A_296 = arith.constant 198 : i32
    %dma_start3A_297 = arith.constant 0 : i32
    %dma_start3A_298 = arith.constant 0 : i32
    %dma_start3A_299 = tpu.memref_slice %arg6[%dma_start3A_297, %dma_start3A_298] : memref<128x128xf32, #tpu.memory_space<vmem>> -> memref<128x128xf32, #tpu.memory_space<vmem>>
    %dma_start3A_300 = arith.constant 0 : i32
    %dma_start3A_301 = tpu.memref_slice %arg5[%dma_start3A_296, %dma_start3A_300] : memref<200x128xi32, #tpu.memory_space<vmem>> -> memref<1x128xi32, #tpu.memory_space<vmem>>
    %dma_start3A_302 = tpu.memref_squeeze %dma_start3A_301 : memref<1x128xi32, #tpu.memory_space<vmem>> -> memref<128xi32, #tpu.memory_space<vmem>>
    %dma_start3A_303 = arith.constant 0 : i32
    %dma_start3A_304 = arith.constant 0 : i32
    %dma_start3A_305 = tpu.memref_slice %arg3[%dma_start3A_303, %dma_start3A_304] : memref<16657x128xf32, #tpu.memory_space<hbm>> -> memref<16657x128xf32, #tpu.memory_space<hbm>>
    tpu.enqueue_indirect_dma source(%dma_start3A_305 : memref<16657x128xf32, #tpu.memory_space<hbm>>) target(%dma_start3A_299 : memref<128x128xf32, #tpu.memory_space<vmem>>) offsets(%dma_start3A_302 : memref<128xi32, #tpu.memory_space<vmem>>) semaphore(%arg12 : memref<!tpu.dma_semaphore, #tpu.memory_space<semaphore_mem>>)
    %dma_wait3A_306 = arith.constant 194 : i32
    %dma_wait3A_307 = arith.constant 0 : i32
    %dma_wait3A_308 = arith.constant 0 : i32
    %dma_wait3A_309 = tpu.memref_slice %arg8[%dma_wait3A_307, %dma_wait3A_308] : memref<128x128xf32, #tpu.memory_space<vmem>> -> memref<128x128xf32, #tpu.memory_space<vmem>>
    %dma_wait3A_310 = arith.constant 0 : i32
    %dma_wait3A_311 = tpu.memref_slice %arg5[%dma_wait3A_306, %dma_wait3A_310] : memref<200x128xi32, #tpu.memory_space<vmem>> -> memref<1x128xi32, #tpu.memory_space<vmem>>
    %dma_wait3A_312 = tpu.memref_squeeze %dma_wait3A_311 : memref<1x128xi32, #tpu.memory_space<vmem>> -> memref<128xi32, #tpu.memory_space<vmem>>
    %dma_wait3A_313 = arith.constant 0 : i32
    %dma_wait3A_314 = arith.constant 0 : i32
    %dma_wait3A_315 = tpu.memref_slice %arg3[%dma_wait3A_313, %dma_wait3A_314] : memref<16657x128xf32, #tpu.memory_space<hbm>> -> memref<16657x128xf32, #tpu.memory_space<hbm>>
    tpu.wait_indirect_dma semaphore(%arg14 : memref<!tpu.dma_semaphore, #tpu.memory_space<semaphore_mem>>) src(%dma_wait3A_315 : memref<16657x128xf32, #tpu.memory_space<hbm>>) dst(%dma_wait3A_309 : memref<128x128xf32, #tpu.memory_space<vmem>>)
    %add3A_316 = arith.constant 24832 : i32
    %add3A_317 = arith.addi %mul3A_2, %add3A_316 : i32
    %dma_start3A_318 = arith.constant 0 : i32
    %dma_start3A_319 = tpu.memref_slice %arg4[%add3A_317, %dma_start3A_318] : memref<819200x128xf32, #tpu.memory_space<hbm>> -> memref<128x128xf32, #tpu.memory_space<hbm>>
    %dma_start3A_320 = arith.constant 0 : i32
    %dma_start3A_321 = tpu.memref_slice %arg4[%add3A_317, %dma_start3A_320] : memref<819200x128xf32, #tpu.memory_space<hbm>> -> memref<128x128xf32, #tpu.memory_space<hbm>>
    tpu.enqueue_dma source(%arg8 : memref<128x128xf32, #tpu.memory_space<vmem>>) target(%dma_start3A_321 : memref<128x128xf32, #tpu.memory_space<hbm>>) target_semaphore(%arg20 : memref<!tpu.dma_semaphore, #tpu.memory_space<semaphore_mem>>)
    %add3A_322 = arith.constant 24704 : i32
    %add3A_323 = arith.addi %mul3A_2, %add3A_322 : i32
    %dma_wait3A_324 = arith.constant 0 : i32
    %dma_wait3A_325 = tpu.memref_slice %arg4[%add3A_323, %dma_wait3A_324] : memref<819200x128xf32, #tpu.memory_space<hbm>> -> memref<128x128xf32, #tpu.memory_space<hbm>>
    %dma_wait3A_326 = arith.constant 0 : i32
    %dma_wait3A_327 = tpu.memref_slice %arg4[%add3A_323, %dma_wait3A_326] : memref<819200x128xf32, #tpu.memory_space<hbm>> -> memref<128x128xf32, #tpu.memory_space<hbm>>
    tpu.wait_dma2 semaphore(%arg19 : memref<!tpu.dma_semaphore, #tpu.memory_space<semaphore_mem>>) src(%arg7 : memref<128x128xf32, #tpu.memory_space<vmem>>) dst(%dma_wait3A_327 : memref<128x128xf32, #tpu.memory_space<hbm>>)
    %dma_start3A_328 = arith.constant 199 : i32
    %dma_start3A_329 = arith.constant 0 : i32
    %dma_start3A_330 = arith.constant 0 : i32
    %dma_start3A_331 = tpu.memref_slice %arg7[%dma_start3A_329, %dma_start3A_330] : memref<128x128xf32, #tpu.memory_space<vmem>> -> memref<128x128xf32, #tpu.memory_space<vmem>>
    %dma_start3A_332 = arith.constant 0 : i32
    %dma_start3A_333 = tpu.memref_slice %arg5[%dma_start3A_328, %dma_start3A_332] : memref<200x128xi32, #tpu.memory_space<vmem>> -> memref<1x128xi32, #tpu.memory_space<vmem>>
    %dma_start3A_334 = tpu.memref_squeeze %dma_start3A_333 : memref<1x128xi32, #tpu.memory_space<vmem>> -> memref<128xi32, #tpu.memory_space<vmem>>
    %dma_start3A_335 = arith.constant 0 : i32
    %dma_start3A_336 = arith.constant 0 : i32
    %dma_start3A_337 = tpu.memref_slice %arg3[%dma_start3A_335, %dma_start3A_336] : memref<16657x128xf32, #tpu.memory_space<hbm>> -> memref<16657x128xf32, #tpu.memory_space<hbm>>
    tpu.enqueue_indirect_dma source(%dma_start3A_337 : memref<16657x128xf32, #tpu.memory_space<hbm>>) target(%dma_start3A_331 : memref<128x128xf32, #tpu.memory_space<vmem>>) offsets(%dma_start3A_334 : memref<128xi32, #tpu.memory_space<vmem>>) semaphore(%arg13 : memref<!tpu.dma_semaphore, #tpu.memory_space<semaphore_mem>>)
    %dma_wait3A_338 = arith.constant 195 : i32
    %dma_wait3A_339 = arith.constant 0 : i32
    %dma_wait3A_340 = arith.constant 0 : i32
    %dma_wait3A_341 = tpu.memref_slice %arg9[%dma_wait3A_339, %dma_wait3A_340] : memref<128x128xf32, #tpu.memory_space<vmem>> -> memref<128x128xf32, #tpu.memory_space<vmem>>
    %dma_wait3A_342 = arith.constant 0 : i32
    %dma_wait3A_343 = tpu.memref_slice %arg5[%dma_wait3A_338, %dma_wait3A_342] : memref<200x128xi32, #tpu.memory_space<vmem>> -> memref<1x128xi32, #tpu.memory_space<vmem>>
    %dma_wait3A_344 = tpu.memref_squeeze %dma_wait3A_343 : memref<1x128xi32, #tpu.memory_space<vmem>> -> memref<128xi32, #tpu.memory_space<vmem>>
    %dma_wait3A_345 = arith.constant 0 : i32
    %dma_wait3A_346 = arith.constant 0 : i32
    %dma_wait3A_347 = tpu.memref_slice %arg3[%dma_wait3A_345, %dma_wait3A_346] : memref<16657x128xf32, #tpu.memory_space<hbm>> -> memref<16657x128xf32, #tpu.memory_space<hbm>>
    tpu.wait_indirect_dma semaphore(%arg15 : memref<!tpu.dma_semaphore, #tpu.memory_space<semaphore_mem>>) src(%dma_wait3A_347 : memref<16657x128xf32, #tpu.memory_space<hbm>>) dst(%dma_wait3A_341 : memref<128x128xf32, #tpu.memory_space<vmem>>)
    %add3A_348 = arith.constant 24960 : i32
    %add3A_349 = arith.addi %mul3A_2, %add3A_348 : i32
    %dma_start3A_350 = arith.constant 0 : i32
    %dma_start3A_351 = tpu.memref_slice %arg4[%add3A_349, %dma_start3A_350] : memref<819200x128xf32, #tpu.memory_space<hbm>> -> memref<128x128xf32, #tpu.memory_space<hbm>>
    %dma_start3A_352 = arith.constant 0 : i32
    %dma_start3A_353 = tpu.memref_slice %arg4[%add3A_349, %dma_start3A_352] : memref<819200x128xf32, #tpu.memory_space<hbm>> -> memref<128x128xf32, #tpu.memory_space<hbm>>
    tpu.enqueue_dma source(%arg9 : memref<128x128xf32, #tpu.memory_space<vmem>>) target(%dma_start3A_353 : memref<128x128xf32, #tpu.memory_space<hbm>>) target_semaphore(%arg21 : memref<!tpu.dma_semaphore, #tpu.memory_space<semaphore_mem>>)
    %add3A_354 = arith.constant 24832 : i32
    %add3A_355 = arith.addi %mul3A_2, %add3A_354 : i32
    %dma_wait3A_356 = arith.constant 0 : i32
    %dma_wait3A_357 = tpu.memref_slice %arg4[%add3A_355, %dma_wait3A_356] : memref<819200x128xf32, #tpu.memory_space<hbm>> -> memref<128x128xf32, #tpu.memory_space<hbm>>
    %dma_wait3A_358 = arith.constant 0 : i32
    %dma_wait3A_359 = tpu.memref_slice %arg4[%add3A_355, %dma_wait3A_358] : memref<819200x128xf32, #tpu.memory_space<hbm>> -> memref<128x128xf32, #tpu.memory_space<hbm>>
    tpu.wait_dma2 semaphore(%arg20 : memref<!tpu.dma_semaphore, #tpu.memory_space<semaphore_mem>>) src(%arg8 : memref<128x128xf32, #tpu.memory_space<vmem>>) dst(%dma_wait3A_359 : memref<128x128xf32, #tpu.memory_space<hbm>>)
    %dma_wait3A_360 = arith.constant 196 : i32
    %dma_wait3A_361 = arith.constant 0 : i32
    %dma_wait3A_362 = arith.constant 0 : i32
    %dma_wait3A_363 = tpu.memref_slice %arg10[%dma_wait3A_361, %dma_wait3A_362] : memref<128x128xf32, #tpu.memory_space<vmem>> -> memref<128x128xf32, #tpu.memory_space<vmem>>
    %dma_wait3A_364 = arith.constant 0 : i32
    %dma_wait3A_365 = tpu.memref_slice %arg5[%dma_wait3A_360, %dma_wait3A_364] : memref<200x128xi32, #tpu.memory_space<vmem>> -> memref<1x128xi32, #tpu.memory_space<vmem>>
    %dma_wait3A_366 = tpu.memref_squeeze %dma_wait3A_365 : memref<1x128xi32, #tpu.memory_space<vmem>> -> memref<128xi32, #tpu.memory_space<vmem>>
    %dma_wait3A_367 = arith.constant 0 : i32
    %dma_wait3A_368 = arith.constant 0 : i32
    %dma_wait3A_369 = tpu.memref_slice %arg3[%dma_wait3A_367, %dma_wait3A_368] : memref<16657x128xf32, #tpu.memory_space<hbm>> -> memref<16657x128xf32, #tpu.memory_space<hbm>>
    tpu.wait_indirect_dma semaphore(%arg16 : memref<!tpu.dma_semaphore, #tpu.memory_space<semaphore_mem>>) src(%dma_wait3A_369 : memref<16657x128xf32, #tpu.memory_space<hbm>>) dst(%dma_wait3A_363 : memref<128x128xf32, #tpu.memory_space<vmem>>)
    %add3A_370 = arith.constant 25088 : i32
    %add3A_371 = arith.addi %mul3A_2, %add3A_370 : i32
    %dma_start3A_372 = arith.constant 0 : i32
    %dma_start3A_373 = tpu.memref_slice %arg4[%add3A_371, %dma_start3A_372] : memref<819200x128xf32, #tpu.memory_space<hbm>> -> memref<128x128xf32, #tpu.memory_space<hbm>>
    %dma_start3A_374 = arith.constant 0 : i32
    %dma_start3A_375 = tpu.memref_slice %arg4[%add3A_371, %dma_start3A_374] : memref<819200x128xf32, #tpu.memory_space<hbm>> -> memref<128x128xf32, #tpu.memory_space<hbm>>
    tpu.enqueue_dma source(%arg10 : memref<128x128xf32, #tpu.memory_space<vmem>>) target(%dma_start3A_375 : memref<128x128xf32, #tpu.memory_space<hbm>>) target_semaphore(%arg22 : memref<!tpu.dma_semaphore, #tpu.memory_space<semaphore_mem>>)
    %add3A_376 = arith.constant 24960 : i32
    %add3A_377 = arith.addi %mul3A_2, %add3A_376 : i32
    %dma_wait3A_378 = arith.constant 0 : i32
    %dma_wait3A_379 = tpu.memref_slice %arg4[%add3A_377, %dma_wait3A_378] : memref<819200x128xf32, #tpu.memory_space<hbm>> -> memref<128x128xf32, #tpu.memory_space<hbm>>
    %dma_wait3A_380 = arith.constant 0 : i32
    %dma_wait3A_381 = tpu.memref_slice %arg4[%add3A_377, %dma_wait3A_380] : memref<819200x128xf32, #tpu.memory_space<hbm>> -> memref<128x128xf32, #tpu.memory_space<hbm>>
    tpu.wait_dma2 semaphore(%arg21 : memref<!tpu.dma_semaphore, #tpu.memory_space<semaphore_mem>>) src(%arg9 : memref<128x128xf32, #tpu.memory_space<vmem>>) dst(%dma_wait3A_381 : memref<128x128xf32, #tpu.memory_space<hbm>>)
    %dma_wait3A_382 = arith.constant 197 : i32
    %dma_wait3A_383 = arith.constant 0 : i32
    %dma_wait3A_384 = arith.constant 0 : i32
    %dma_wait3A_385 = tpu.memref_slice %arg11[%dma_wait3A_383, %dma_wait3A_384] : memref<128x128xf32, #tpu.memory_space<vmem>> -> memref<128x128xf32, #tpu.memory_space<vmem>>
    %dma_wait3A_386 = arith.constant 0 : i32
    %dma_wait3A_387 = tpu.memref_slice %arg5[%dma_wait3A_382, %dma_wait3A_386] : memref<200x128xi32, #tpu.memory_space<vmem>> -> memref<1x128xi32, #tpu.memory_space<vmem>>
    %dma_wait3A_388 = tpu.memref_squeeze %dma_wait3A_387 : memref<1x128xi32, #tpu.memory_space<vmem>> -> memref<128xi32, #tpu.memory_space<vmem>>
    %dma_wait3A_389 = arith.constant 0 : i32
    %dma_wait3A_390 = arith.constant 0 : i32
    %dma_wait3A_391 = tpu.memref_slice %arg3[%dma_wait3A_389, %dma_wait3A_390] : memref<16657x128xf32, #tpu.memory_space<hbm>> -> memref<16657x128xf32, #tpu.memory_space<hbm>>
    tpu.wait_indirect_dma semaphore(%arg17 : memref<!tpu.dma_semaphore, #tpu.memory_space<semaphore_mem>>) src(%dma_wait3A_391 : memref<16657x128xf32, #tpu.memory_space<hbm>>) dst(%dma_wait3A_385 : memref<128x128xf32, #tpu.memory_space<vmem>>)
    %add3A_392 = arith.constant 25216 : i32
    %add3A_393 = arith.addi %mul3A_2, %add3A_392 : i32
    %dma_start3A_394 = arith.constant 0 : i32
    %dma_start3A_395 = tpu.memref_slice %arg4[%add3A_393, %dma_start3A_394] : memref<819200x128xf32, #tpu.memory_space<hbm>> -> memref<128x128xf32, #tpu.memory_space<hbm>>
    %dma_start3A_396 = arith.constant 0 : i32
    %dma_start3A_397 = tpu.memref_slice %arg4[%add3A_393, %dma_start3A_396] : memref<819200x128xf32, #tpu.memory_space<hbm>> -> memref<128x128xf32, #tpu.memory_space<hbm>>
    tpu.enqueue_dma source(%arg11 : memref<128x128xf32, #tpu.memory_space<vmem>>) target(%dma_start3A_397 : memref<128x128xf32, #tpu.memory_space<hbm>>) target_semaphore(%arg23 : memref<!tpu.dma_semaphore, #tpu.memory_space<semaphore_mem>>)
    %add3A_398 = arith.constant 25088 : i32
    %add3A_399 = arith.addi %mul3A_2, %add3A_398 : i32
    %dma_wait3A_400 = arith.constant 0 : i32
    %dma_wait3A_401 = tpu.memref_slice %arg4[%add3A_399, %dma_wait3A_400] : memref<819200x128xf32, #tpu.memory_space<hbm>> -> memref<128x128xf32, #tpu.memory_space<hbm>>
    %dma_wait3A_402 = arith.constant 0 : i32
    %dma_wait3A_403 = tpu.memref_slice %arg4[%add3A_399, %dma_wait3A_402] : memref<819200x128xf32, #tpu.memory_space<hbm>> -> memref<128x128xf32, #tpu.memory_space<hbm>>
    tpu.wait_dma2 semaphore(%arg22 : memref<!tpu.dma_semaphore, #tpu.memory_space<semaphore_mem>>) src(%arg10 : memref<128x128xf32, #tpu.memory_space<vmem>>) dst(%dma_wait3A_403 : memref<128x128xf32, #tpu.memory_space<hbm>>)
    %dma_wait3A_404 = arith.constant 198 : i32
    %dma_wait3A_405 = arith.constant 0 : i32
    %dma_wait3A_406 = arith.constant 0 : i32
    %dma_wait3A_407 = tpu.memref_slice %arg6[%dma_wait3A_405, %dma_wait3A_406] : memref<128x128xf32, #tpu.memory_space<vmem>> -> memref<128x128xf32, #tpu.memory_space<vmem>>
    %dma_wait3A_408 = arith.constant 0 : i32
    %dma_wait3A_409 = tpu.memref_slice %arg5[%dma_wait3A_404, %dma_wait3A_408] : memref<200x128xi32, #tpu.memory_space<vmem>> -> memref<1x128xi32, #tpu.memory_space<vmem>>
    %dma_wait3A_410 = tpu.memref_squeeze %dma_wait3A_409 : memref<1x128xi32, #tpu.memory_space<vmem>> -> memref<128xi32, #tpu.memory_space<vmem>>
    %dma_wait3A_411 = arith.constant 0 : i32
    %dma_wait3A_412 = arith.constant 0 : i32
    %dma_wait3A_413 = tpu.memref_slice %arg3[%dma_wait3A_411, %dma_wait3A_412] : memref<16657x128xf32, #tpu.memory_space<hbm>> -> memref<16657x128xf32, #tpu.memory_space<hbm>>
    tpu.wait_indirect_dma semaphore(%arg12 : memref<!tpu.dma_semaphore, #tpu.memory_space<semaphore_mem>>) src(%dma_wait3A_413 : memref<16657x128xf32, #tpu.memory_space<hbm>>) dst(%dma_wait3A_407 : memref<128x128xf32, #tpu.memory_space<vmem>>)
    %add3A_414 = arith.constant 25344 : i32
    %add3A_415 = arith.addi %mul3A_2, %add3A_414 : i32
    %dma_start3A_416 = arith.constant 0 : i32
    %dma_start3A_417 = tpu.memref_slice %arg4[%add3A_415, %dma_start3A_416] : memref<819200x128xf32, #tpu.memory_space<hbm>> -> memref<128x128xf32, #tpu.memory_space<hbm>>
    %dma_start3A_418 = arith.constant 0 : i32
    %dma_start3A_419 = tpu.memref_slice %arg4[%add3A_415, %dma_start3A_418] : memref<819200x128xf32, #tpu.memory_space<hbm>> -> memref<128x128xf32, #tpu.memory_space<hbm>>
    tpu.enqueue_dma source(%arg6 : memref<128x128xf32, #tpu.memory_space<vmem>>) target(%dma_start3A_419 : memref<128x128xf32, #tpu.memory_space<hbm>>) target_semaphore(%arg18 : memref<!tpu.dma_semaphore, #tpu.memory_space<semaphore_mem>>)
    %add3A_420 = arith.constant 25216 : i32
    %add3A_421 = arith.addi %mul3A_2, %add3A_420 : i32
    %dma_wait3A_422 = arith.constant 0 : i32
    %dma_wait3A_423 = tpu.memref_slice %arg4[%add3A_421, %dma_wait3A_422] : memref<819200x128xf32, #tpu.memory_space<hbm>> -> memref<128x128xf32, #tpu.memory_space<hbm>>
    %dma_wait3A_424 = arith.constant 0 : i32
    %dma_wait3A_425 = tpu.memref_slice %arg4[%add3A_421, %dma_wait3A_424] : memref<819200x128xf32, #tpu.memory_space<hbm>> -> memref<128x128xf32, #tpu.memory_space<hbm>>
    tpu.wait_dma2 semaphore(%arg23 : memref<!tpu.dma_semaphore, #tpu.memory_space<semaphore_mem>>) src(%arg11 : memref<128x128xf32, #tpu.memory_space<vmem>>) dst(%dma_wait3A_425 : memref<128x128xf32, #tpu.memory_space<hbm>>)
    %dma_wait3A_426 = arith.constant 199 : i32
    %dma_wait3A_427 = arith.constant 0 : i32
    %dma_wait3A_428 = arith.constant 0 : i32
    %dma_wait3A_429 = tpu.memref_slice %arg7[%dma_wait3A_427, %dma_wait3A_428] : memref<128x128xf32, #tpu.memory_space<vmem>> -> memref<128x128xf32, #tpu.memory_space<vmem>>
    %dma_wait3A_430 = arith.constant 0 : i32
    %dma_wait3A_431 = tpu.memref_slice %arg5[%dma_wait3A_426, %dma_wait3A_430] : memref<200x128xi32, #tpu.memory_space<vmem>> -> memref<1x128xi32, #tpu.memory_space<vmem>>
    %dma_wait3A_432 = tpu.memref_squeeze %dma_wait3A_431 : memref<1x128xi32, #tpu.memory_space<vmem>> -> memref<128xi32, #tpu.memory_space<vmem>>
    %dma_wait3A_433 = arith.constant 0 : i32
    %dma_wait3A_434 = arith.constant 0 : i32
    %dma_wait3A_435 = tpu.memref_slice %arg3[%dma_wait3A_433, %dma_wait3A_434] : memref<16657x128xf32, #tpu.memory_space<hbm>> -> memref<16657x128xf32, #tpu.memory_space<hbm>>
    tpu.wait_indirect_dma semaphore(%arg13 : memref<!tpu.dma_semaphore, #tpu.memory_space<semaphore_mem>>) src(%dma_wait3A_435 : memref<16657x128xf32, #tpu.memory_space<hbm>>) dst(%dma_wait3A_429 : memref<128x128xf32, #tpu.memory_space<vmem>>)
    %add3A_436 = arith.constant 25472 : i32
    %add3A_437 = arith.addi %mul3A_2, %add3A_436 : i32
    %dma_start3A_438 = arith.constant 0 : i32
    %dma_start3A_439 = tpu.memref_slice %arg4[%add3A_437, %dma_start3A_438] : memref<819200x128xf32, #tpu.memory_space<hbm>> -> memref<128x128xf32, #tpu.memory_space<hbm>>
    %dma_start3A_440 = arith.constant 0 : i32
    %dma_start3A_441 = tpu.memref_slice %arg4[%add3A_437, %dma_start3A_440] : memref<819200x128xf32, #tpu.memory_space<hbm>> -> memref<128x128xf32, #tpu.memory_space<hbm>>
    tpu.enqueue_dma source(%arg7 : memref<128x128xf32, #tpu.memory_space<vmem>>) target(%dma_start3A_441 : memref<128x128xf32, #tpu.memory_space<hbm>>) target_semaphore(%arg19 : memref<!tpu.dma_semaphore, #tpu.memory_space<semaphore_mem>>)
    %add3A_442 = arith.constant 25344 : i32
    %add3A_443 = arith.addi %mul3A_2, %add3A_442 : i32
    %dma_wait3A_444 = arith.constant 0 : i32
    %dma_wait3A_445 = tpu.memref_slice %arg4[%add3A_443, %dma_wait3A_444] : memref<819200x128xf32, #tpu.memory_space<hbm>> -> memref<128x128xf32, #tpu.memory_space<hbm>>
    %dma_wait3A_446 = arith.constant 0 : i32
    %dma_wait3A_447 = tpu.memref_slice %arg4[%add3A_443, %dma_wait3A_446] : memref<819200x128xf32, #tpu.memory_space<hbm>> -> memref<128x128xf32, #tpu.memory_space<hbm>>
    tpu.wait_dma2 semaphore(%arg18 : memref<!tpu.dma_semaphore, #tpu.memory_space<semaphore_mem>>) src(%arg6 : memref<128x128xf32, #tpu.memory_space<vmem>>) dst(%dma_wait3A_447 : memref<128x128xf32, #tpu.memory_space<hbm>>)
    %add3A_448 = arith.constant 25472 : i32
    %add3A_449 = arith.addi %mul3A_2, %add3A_448 : i32
    %dma_wait3A_450 = arith.constant 0 : i32
    %dma_wait3A_451 = tpu.memref_slice %arg4[%add3A_449, %dma_wait3A_450] : memref<819200x128xf32, #tpu.memory_space<hbm>> -> memref<128x128xf32, #tpu.memory_space<hbm>>
    %dma_wait3A_452 = arith.constant 0 : i32
    %dma_wait3A_453 = tpu.memref_slice %arg4[%add3A_449, %dma_wait3A_452] : memref<819200x128xf32, #tpu.memory_space<hbm>> -> memref<128x128xf32, #tpu.memory_space<hbm>>
    tpu.wait_dma2 semaphore(%arg19 : memref<!tpu.dma_semaphore, #tpu.memory_space<semaphore_mem>>) src(%arg7 : memref<128x128xf32, #tpu.memory_space<vmem>>) dst(%dma_wait3A_453 : memref<128x128xf32, #tpu.memory_space<hbm>>)
    return
  }
}

</mosaic_0001>

<sc_bundles>
// kernel: kernel.3.cloned.1.call-start
scs
__scs_entry_jumppad:
0x0: {  	(pc) =	sbr.rel $0x88, $3  }
0x1: {  	(tag) =	ssettag $0x0;
	lr =	simm.s32 $0x1  }
0x2: {  	[smem:$0x3F9F] =	sst lr;
	_ =	strace $0xD0000000  }
0x3: {  	_ = 	snop  }
0x4: {  	_ = 	snop  }
0x5: {  	_ = 	snop  }
0x6: {  	_ = 	snop  }
0x7: {  	_ = 	snop  }
__scs_overlays_trampoline_lowered:
0x8: {  	[smem:$0x3FAE] =	sst s0  }
0x9: {  	[smem:$0x3FAF] =	sst s1  }
0xa: {  	[smem:$0x3FB0] =	sst s2  }
0xb: {  	[smem:$0x3FB1] =	sst s3  }
0xc: {  	[smem:$0x3FB2] =	sst s4  }
0xd: {  	[smem:$0x3FB3] =	sst s5  }
0xe: {  	[smem:$0x3FB4] =	sst s6  }
0xf: {  	[smem:$0x3FB5] =	sst s7  }
0x10: {  	[smem:$0x3FB6] =	sst s8  }
0x11: {  	[smem:$0x3FB7] =	sst s9;
	s0 =	simm.s32 @!p0 $0x0  }
0x12: {  	s1 =	sld [smem:$0x3F9D];
	s0 =	simm.s32 @p0 $0x1  }
0x13: {  	[smem:$0x3FB8] =	sst s0;
	s0 =	simm.s32 @!p1 $0x0  }
0x14: {  	s2 =	sld [smem:$0x3F9C];
	s0 =	simm.s32 @p1 $0x1  }
0x15: {  	[smem:$0x3FB9] =	sst s0;
	s0 =	simm.s32 @!p2 $0x0  }
0x16: {  	s3 =	sld [smem:$0x3FDB];
	s0 =	simm.s32 @p2 $0x1  }
0x17: {  	s4 =	simm.s32 $0x1BF5;
	[smem:$0x3FBB] =	sst s0  }
0x18: {  	s0 =	sld [smem:$0x3F9E];
	_ =	swait.ge [sflag:s4], $0x0  }
0x19: {  	s7 =	sld [smem:$0x3F9F]  }
0x1a: {  	s8 =	sadd.s32 $0xFFFFE003, lr  }
0x1b: {  	s9 =	sadd.s32 $0xFFFFFEF7, lr;
	s5 =	simm.s32 $0xFFFFFFFF;
	p2 =	slt.u32 s8, $0xFFFFF086  }
0x1c: {  	p1 =	slt.u32 s9, $0xF7A;
	s5 =	simm.s32 @!p2 $0x0  }
0x1d: {  	s5 =	simm.s32 @p1 $0x1;
	p0 =	seq.s32 s7, s2  }
0x1e: {  	s7 =	smul.u32 @!p0 $0xF7A, s2;
	p2 =	seq.s32 @!p0 s5, $0x0  }
0x1f: {  	s9 =	smul.u32 $0xF7A, s1;
	s8 =	simm.s32 @!p0 $0x1BF5;
	p2 =	por !p2, p0  }
0x20: {  	[sflag:s8] =	ssyncset.s32 @!p0 $0xFFFFF086;
	s6 =	sadd.s32 @!p0 s3, s7;
	s7 =	simm.s32 @!p0 $0x108  }
0x21: {  	s3 =	sadd.s32 s3, s9;
	s6 =	sadd.s32 @!p0 $0x88, s6;
	s7 =	simm.s32 @p2 $0x1082  }
0x22: {  	[simem:s7], [sflag:s8] =	dma.local @!p0 [hbm:s6], $0xF7A  }
0x23: {  	s9 =	sor.u32 $0xD0000000, s2;
	s6 =	simm.s32 $0x108;
	_ =	swait.ge @!p0 [sflag:s8], $0x0  }
0x24: {  	s3 =	sadd.s32 $0x88, s3;
	s6 =	simm.s32 @!p1 $0x1082;
	[sflag:s4] =	ssyncset.s32 $0xFFFFF086  }
0x25: {  	[simem:s6], [sflag:s4] =	dma.local [hbm:s3], $0xF7A  }
0x26: {  	[smem:$0x3F9F] =	sst s1;
	(tag) =	ssettag s2;
	_ =	strace s9  }
0x27: {  	s1 =	sld [smem:$0x3FAF]  }
0x28: {  	s2 =	sld [smem:$0x3FB0]  }
0x29: {  	s4 =	sld [smem:$0x3FB2]  }
0x2a: {  	p0 =	seq.s32 s5, $0x0;
	s5 =	sld [smem:$0x3FB3]  }
0x2b: {  	s6 =	sld [smem:$0x3FB4]  }
0x2c: {  	s7 =	sld [smem:$0x3FB5]  }
0x2d: {  	s3 =	simm.s32 $0x108;
	s8 =	sld [smem:$0x3FB6]  }
0x2e: {  	s3 =	simm.s32 @!p0 $0x1082;
	s9 =	sld [smem:$0x3FB7]  }
0x2f: {  	lr =	sadd.s32 s0, s3;
	s0 =	sld [smem:$0x3FAE]  }
0x30: {  	s3 =	sld [smem:$0x3FB1]  }
0x31: {  	[smem:$0x3FBA] =	sst s10  }
0x32: {  	s10 =	sld [smem:$0x3FB8];
	_ =	sdelay $0x3  }
0x33: {  	p0 =	seq.s32 s10, $0x1;
	s10 =	sld [smem:$0x3FBA];
	_ =	sdelay $0x3  }
0x34: {  	[smem:$0x3FBA] =	sst s10  }
0x35: {  	s10 =	sld [smem:$0x3FB9];
	_ =	sdelay $0x3  }
0x36: {  	p1 =	seq.s32 s10, $0x1;
	s10 =	sld [smem:$0x3FBA];
	_ =	sdelay $0x3  }
0x37: {  	[smem:$0x3FBA] =	sst s10  }
0x38: {  	s10 =	sld [smem:$0x3FBB]  }
0x39: {  	_ = 	snop;
	(pc) =	sbr.ind lr, $3  }
0x3a: {  	_ = 	snop  }
0x3b: {  	_ = 	snop  }
0x3c: {  	p2 =	seq.s32 s10, $0x1;
	s10 =	sld [smem:$0x3FBA]  }
0x3d: {  	_ =	shalt  }
0x3e: {  	_ =	shalt  }
0x3f: {  	_ =	shalt  }
0x40: {  	_ =	shalt  }
0x41: {  	_ =	shalt  }
0x42: {  	_ =	shalt  }
0x43: {  	_ =	shalt  }
0x44: {  	_ =	shalt  }
0x45: {  	_ =	shalt  }
0x46: {  	_ =	shalt  }
0x47: {  	_ =	shalt  }
0x48: {  	_ =	shalt  }
0x49: {  	_ =	shalt  }
0x4a: {  	_ =	shalt  }
0x4b: {  	_ =	shalt  }
0x4c: {  	_ =	shalt  }
0x4d: {  	_ =	shalt  }
0x4e: {  	_ =	shalt  }
0x4f: {  	_ =	shalt  }
0x50: {  	_ =	shalt  }
0x51: {  	_ =	shalt  }
0x52: {  	_ =	shalt  }
0x53: {  	_ =	shalt  }
0x54: {  	_ =	shalt  }
0x55: {  	_ =	shalt  }
0x56: {  	_ =	shalt  }
0x57: {  	_ =	shalt  }
0x58: {  	_ =	shalt  }
0x59: {  	_ =	shalt  }
0x5a: {  	_ =	shalt  }
0x5b: {  	_ =	shalt  }
0x5c: {  	_ =	shalt  }
0x5d: {  	_ =	shalt  }
0x5e: {  	_ =	shalt  }
0x5f: {  	_ =	shalt  }
0x60: {  	_ =	shalt  }
0x61: {  	_ =	shalt  }
0x62: {  	_ =	shalt  }
0x63: {  	_ =	shalt  }
0x64: {  	_ =	shalt  }
0x65: {  	_ =	shalt  }
0x66: {  	_ =	shalt  }
0x67: {  	_ =	shalt  }
0x68: {  	_ =	shalt  }
0x69: {  	_ =	shalt  }
0x6a: {  	_ =	shalt  }
0x6b: {  	_ =	shalt  }
0x6c: {  	_ =	shalt  }
0x6d: {  	_ =	shalt  }
0x6e: {  	_ =	shalt  }
0x6f: {  	_ =	shalt  }
0x70: {  	_ =	shalt  }
0x71: {  	_ =	shalt  }
0x72: {  	_ =	shalt  }
0x73: {  	_ =	shalt  }
0x74: {  	_ =	shalt  }
0x75: {  	_ =	shalt  }
0x76: {  	_ =	shalt  }
0x77: {  	_ =	shalt  }
0x78: {  	_ =	shalt  }
0x79: {  	_ =	shalt  }
0x7a: {  	_ =	shalt  }
0x7b: {  	_ =	shalt  }
0x7c: {  	_ =	shalt  }
0x7d: {  	_ =	shalt  }
0x7e: {  	_ =	shalt  }
0x7f: {  	_ =	shalt  }
0x80: {  	_ =	shalt  }
0x81: {  	_ =	shalt  }
0x82: {  	_ =	shalt  }
0x83: {  	_ =	shalt  }
0x84: {  	_ =	shalt  }
0x85: {  	_ =	shalt  }
0x86: {  	_ =	shalt  }
0x87: {  	_ =	shalt  }
.Lfunc_end0:
.L_simem_size_0:
called_computation_lowered:
.L_overlay_start_0:
0x88: {  	s2 =	sld [smem:$0x3FD9]  }
0x89: {  	s3 =	sld [smem:$0x3FFE];
	_ =	sdelay $0x1  }
0x8a: {  	s1 =	srdreg.scid  }
0x8b: {  	s0 =	sand.u32 $0x1, s1  }
0x8c: {  	s17 =	sshll.u32 s0, $0xA;
	s2 =	sadd.s32 s3, s2  }
0x8d: {  	s2 =	sadd.s32 s2, s17  }
0x8e: {  	[smem:$0x3FC6] =	sst s2  }
0x8f: {  	_ = 	snop  }
0x90: {  	s2 =	sld [smem:$0x3FC8]  }
0x91: {  	s18 =	sld [smem:$0x3FD0];
	(tm) =	ssettm $0x1  }
0x92: {  	s4 =	sld [smem:$0x3FFB];
	_ =	sdelay $0x3  }
0x93: {  	_ =	strace s4  }
0x94: {  	s4 =	sld [smem:$0x3FFC];
	_ =	sdelay $0x3  }
0x95: {  	_ =	strace s4  }
0x96: {  	s4 =	sld [smem:$0x3FFD];
	_ =	sdelay $0x3  }
0x97: {  	_ =	strace s4  }
0x98: {  	_ =	strace $0x8FFFFFFF  }
0x99: {  	s19 =	sld [smem:$0x3FDB];
	_ =	sdelay $0x1  }
0x9a: {  	s5 =	simm.s32 $_scs_section_size  }
0x9b: {  	s6 =	simm.s32 $_size__tile_overlayer_lowered;
	s7 =	simm.s32 $_tile_overlayer_lowered  }
0x9c: {  	s22 =	simm.s32 $0x1BFF;
	s21 =	sshll.u32 s7, $0x1;
	s4 =	sadd.s32 s5, s19  }
0x9d: {  	s8 =	simm.s32 $0x0;
	s20 =	sshll.u32 s6, $0x1;
	s6 =	sadd.s32 s21, s4  }
0x9e: {  	[timem:s8], [sflag:s22] =	dma.local [hbm:s6], s20  }
0x9f: {  	_ =	swait.ge [sflag:s22], s20  }
0xa0: {  	s5 =	ssub.s32 $0x0, s20;
	[sflag:s22] =	ssyncset.done $0x0  }
0xa1: {  	[sflag:s22] =	ssyncadd.s32 s5;
	_ =	sdelay $0x1  }
0xa2: {  	s23 =	simm.s32 $0x1B8B  }
0xa3: {  	_ =	swait.ge [sflag:s23], $0x1  }
0xa4: {  	[sflag:s23] =	ssyncset.done $0x0  }
0xa5: {  	s25 =	simm.s32 $0x1B8E;
	s24 =	sld [smem:$0x3FFE];
	[sflag:s23] =	ssyncadd.s32 $0xFFFFFFFF  }
0xa6: {  	s26 =	simm.s32 $execute0_lowered;
	[smem:$0x3FD2] =	sst s25  }
0xa7: {  	s6 =	sshll.u32 s26, $0x1;
	_ =	strace $0x80000046;
	[dreg:$0x1] =	wrdreg $0xFFFFFFFF  }
0xa8: {  	s28 =	simm.s32 $_size_execute0_lowered;
	s4 =	sadd.s32 s4, s6;
	[dreg:$0x0] =	wrdreg $0x0  }
0xa9: {  	s6 =	sshll.u32 s28, $0x1;
	[dreg:$0x2] =	wrdreg s4  }
0xaa: {  	[dreg:$0x3] =	wrdreg s6  }
0xab: {  	[dreg:$0x4] =	wrdreg $0xC0  }
0xac: {  	_ =	task [dreg:s8], $0x5FFFF  }
0xad: {  	[dreg:$0x1] =	wrdreg $0xFFFFFFFF  }
0xae: {  	[dreg:$0x0] =	wrdreg $0x60  }
0xaf: {  	[dreg:$0x2] =	wrdreg s24  }
0xb0: {  	[dreg:$0x3] =	wrdreg s2  }
0xb1: {  	[dreg:$0x4] =	wrdreg s18  }
0xb2: {  	[dreg:$0x5] =	wrdreg $0x9  }
0xb3: {  	_ =	task.clear_ibuf [dreg:s8], $0x6FFFF;
	_ =	strace $0x90000046  }
0xb4: {  	s29 =	simm.s32 $0x9;
	_ =	strace $0x80000048  }
0xb5: {  	_ =	swait.ge [sflag:s29], $0x1  }
0xb6: {  	[sflag:s29] =	ssyncadd.s32 $0xFFFFFFFF  }
0xb7: {  	_ =	strace $0x90000048  }
0xb8: {  	_ =	sfence  }
0xb9: {  	s30 =	sld [smem:$0x0];
	_ =	sdelay $0x2  }
0xba: {  	s31 =	sshll.u32 s1, $0xD;
	s1 =	sshrl.u32 s1, $0x2  }
0xbb: {  	s3 =	sand.u32 $0x4000, s31;
	s1 =	sadd.s32 s1, s30  }
0xbc: {  	s0 =	sor.u32 s3, s0;
	s1 =	sshll.u32 s1, $0x11  }
0xbd: {  	s0 =	sor.u32 s1, s0  }
0xbe: {  	s0 =	sadd.s32 $0x8F2B, s0  }
0xbf: {  	[sflag:s0] =	ssyncadd.remote.s32 $0x1  }
0xc0: {  	_ =	sfence.sel $0xFFFF  }
0xc1: {  	[dreg:$0x0] =	wrdreg $0xFFFFFFFF;
	(pc) =	sbr.abs _section_cstart, $3  }
0xc2: {  	[dreg:$0x1] =	wrdreg $0xFFFFFFFF  }
0xc3: {  	_ =	task.clear_ibuf [dreg:s8], $0x2FFFF;
	_ =	strace $0x9FFFFFFF  }
0xc4: {  	(tm) =	ssettm $0x7FFFFFFF  }
0xc5: {  	_ =	shalt  }
tec
execute0_lowered:
.L_overlay_start_1:
0x0: {  	(tag) =	ssettag $0x1  }
0x1: {  	s0 =	rddreg [dreg:$0x0]  }
0x2: {  	s2 =	rddreg [dreg:$0x1]  }
0x3: {  	s1 =	srdreg.scid;
	s10 =	stileid.u32  }
0x4: {  	s4 =	rddreg [dreg:$0x2];
	s3 =	simm.s32 $0x0;
	s29 =	simm.s32 $0x12400  }
0x5: {  	s31 =	simm.s32 $0x16400;
	s1 =	sand.u32 $0x1, s1;
	s5 =	sshll.u32 s10, $0x1  }
0x6: {  	s28 =	simm.s32 $0x2;
	s20 =	smul.u32 $0xC8000, s10;
	s5 =	sor.u32 s1, s5  }
0x7: {  	s30 =	simm.s32 $0x7;
	s11 =	simm.s32 $0xB;
	s6 =	smul.u32 $0x6400, s5  }
0x8: {  	[smem:$0x7FF] =	sst s3;
	s10 =	simm.s32 $0x6;
	s8 =	smul.u32 $0x64000, s5  }
0x9: {  	_ =	strace $0x80000047;
	s7 =	ssub.s32 $0x2, s1;
	s9 =	smul.u32 $0x320000, s5  }
0xa: {  	s1 =	smul.u32 $0x64000, s1;
	s12 =	sshrl.u32 s7, $0x1;
	s5 =	sadd.s32 s4, s8  }
0xb: {  	s6 =	sshrl.u32 s6, $0x3;
	s15 =	sshrl.u32 s9, $0x3;
	s13 =	sadd.s32 $0x800, s5  }
0xc: {  	s8 =	simm.s32 $0x5;
	s14 =	sadd.s32 $0x1000, s5;
	[dreg:$0x5] =	wrdreg s13  }
0xd: {  	s9 =	simm.s32 $0xA;
	s16 =	sadd.s32 $0x1800, s5;
	[dreg:$0x6] =	wrdreg s14  }
0xe: {  	s0 =	sadd.s32 s6, s0;
	s17 =	sadd.s32 $0x2000, s5;
	[dreg:$0x7] =	wrdreg s16  }
0xf: {  	s6 =	ssub.s32 s7, s12;
	s0 =	sadd.s32 $0x400, s0;
	[dreg:$0x8] =	wrdreg s17  }
0x10: {  	s18 =	sadd.s32 $0x2800, s5;
	[dreg:$0x4] =	wrdreg s0;
	s0 =	sadd.s32 s4, s15  }
0x11: {  	s7 =	simm.s32 $0x9;
	[dreg:$0x9] =	wrdreg s18;
	s19 =	sadd.s32 $0x60000, s0  }
0x12: {  	s12 =	simm.s32 $0xC;
	s21 =	sadd.s32 $0x60800, s0;
	[dreg:$0xa] =	wrdreg s19  }
0x13: {  	s13 =	simm.s32 $0x0;
	s22 =	sadd.s32 $0x61000, s0;
	[dreg:$0xb] =	wrdreg s21  }
0x14: {  	s4 =	sadd.s32 s20, s4;
	s23 =	sadd.s32 $0x61800, s0;
	[dreg:$0xc] =	wrdreg s22  }
0x15: {  	s24 =	sadd.s32 $0x62000, s0;
	s25 =	sadd.s32 $0x62800, s0;
	[dreg:$0xd] =	wrdreg s23  }
0x16: {  	s26 =	sadd.s32 $0x63000, s0;
	s1 =	sadd.s32 s1, s4;
	[dreg:$0xe] =	wrdreg s24  }
0x17: {  	s18 =	sadd.s32 $0x63800, s0;
	s0 =	simm.s32 $0x1A400;
	[dreg:$0xf] =	wrdreg s25  }
0x18: {  	s4 =	simm.s32 $0x8;
	[dreg:$0x10] =	wrdreg s26;
	s19 =	smax.u32 s6, $0x1  }
0x19: {  	s20 =	sadd.s32 $0x5800, s1;
	s21 =	simm.s32 $0xD;
	s22 =	simm.s32 $0x80  }
0x1a: {  	s23 =	simm.s32 $0x6400;
	s24 =	simm.s32 $0xA400;
	s26 =	simm.s32 $0xE400  }
0x1b: {  	s25 =	simm.s32 $0x1;
	s1 =	simm.s32 $0x3;
	s6 =	simm.s32 $0x4  }
.LBB2_1:
0x1c: {  	s14 =	rddreg [dreg:$0x4]  }
0x1d: {  	[tilespmem:s3], [sflag:$0xD] =	stream.linear.gather [hbm4b:s14+s3], $0x6400, $0x38;
	[tilespmem:$0x1E400] =	vst v63  }
0x1e: {  	_ =	swait.ge [sflag:s21], $0x6400  }
0x1f: {  	[sflag:s21] =	ssyncset.done $0x0  }
0x20: {  	[sflag:s21] =	ssyncadd.s32 $0xFFFF9C00  }
0x21: {  	[tilespmem:s23], [sflag:$0x1] =	stream.indirect.gather [hbm4b:s2+s22], $0x80, s3, s22, $0xb8;
	[tilespmem:$0x1E400] =	vst v63  }
0x22: {  	_ = 	snop  }
0x23: {  	[tilespmem:s24], [sflag:$0x2] =	stream.indirect.gather [hbm4b:s2+s22], $0x80, s22, s22, $0xb8;
	[tilespmem:$0x1E400] =	vst v63  }
0x24: {  	s15 =	simm.s32 $0x100  }
0x25: {  	[tilespmem:s26], [sflag:$0x3] =	stream.indirect.gather [hbm4b:s2+s22], $0x80, s15, s22, $0xb8;
	[tilespmem:$0x1E400] =	vst v63  }
0x26: {  	s16 =	simm.s32 $0x180  }
0x27: {  	[tilespmem:s29], [sflag:$0x4] =	stream.indirect.gather [hbm4b:s2+s22], $0x80, s16, s22, $0xb8;
	[tilespmem:$0x1E400] =	vst v63  }
0x28: {  	s17 =	simm.s32 $0x200  }
0x29: {  	[tilespmem:s31], [sflag:$0x5] =	stream.indirect.gather [hbm4b:s2+s22], $0x80, s17, s22, $0xb8;
	[tilespmem:$0x1E400] =	vst v63  }
0x2a: {  	s15 =	simm.s32 $0x280  }
0x2b: {  	[tilespmem:s0], [sflag:$0x6] =	stream.indirect.gather [hbm4b:s2+s22], $0x80, s15, s22, $0xb8;
	[tilespmem:$0x1E400] =	vst v63  }
0x2c: {  	_ =	swait.ge [sflag:s25], $0x4000  }
0x2d: {  	[sflag:s25] =	ssyncset.done $0x0  }
0x2e: {  	[sflag:s25] =	ssyncadd.s32 $0xFFFFC000  }
0x2f: {  	[hbm4b:s5+s3] =	stream.linear.scatter [tilespmem:s23], [sflag:$0x7], $0x4000, $0x38;
	[tilespmem:$0x1E400] =	vst v63  }
0x30: {  	_ =	swait.ge [sflag:s28], $0x4000  }
0x31: {  	[sflag:s28] =	ssyncset.done $0x0  }
0x32: {  	s16 =	rddreg [dreg:$0x5];
	[sflag:s28] =	ssyncadd.s32 $0xFFFFC000  }
0x33: {  	[hbm4b:s16+s3] =	stream.linear.scatter [tilespmem:s24], [sflag:$0x8], $0x4000, $0x38;
	[tilespmem:$0x1E400] =	vst v63  }
0x34: {  	_ =	swait.ge [sflag:s30], $0x4000  }
0x35: {  	[sflag:s30] =	ssyncset.done $0x0  }
0x36: {  	s17 =	simm.s32 $0x300;
	[sflag:s30] =	ssyncadd.s32 $0xFFFFC000  }
0x37: {  	[tilespmem:s23], [sflag:$0x1] =	stream.indirect.gather [hbm4b:s2+s22], $0x80, s17, s22, $0xb8;
	[tilespmem:$0x1E400] =	vst v63  }
0x38: {  	_ =	swait.ge [sflag:s1], $0x4000  }
0x39: {  	[sflag:s1] =	ssyncset.done $0x0  }
0x3a: {  	s15 =	rddreg [dreg:$0x6];
	[sflag:s1] =	ssyncadd.s32 $0xFFFFC000  }
0x3b: {  	[hbm4b:s15+s3] =	stream.linear.scatter [tilespmem:s26], [sflag:$0x9], $0x4000, $0x38;
	[tilespmem:$0x1E400] =	vst v63  }
0x3c: {  	_ =	swait.ge [sflag:s4], $0x4000  }
0x3d: {  	[sflag:s4] =	ssyncset.done $0x0  }
0x3e: {  	s16 =	simm.s32 $0x380;
	[sflag:s4] =	ssyncadd.s32 $0xFFFFC000  }
0x3f: {  	[tilespmem:s24], [sflag:$0x2] =	stream.indirect.gather [hbm4b:s2+s22], $0x80, s16, s22, $0xb8;
	[tilespmem:$0x1E400] =	vst v63  }
0x40: {  	_ =	swait.ge [sflag:s6], $0x4000  }
0x41: {  	[sflag:s6] =	ssyncset.done $0x0  }
0x42: {  	s17 =	rddreg [dreg:$0x7];
	[sflag:s6] =	ssyncadd.s32 $0xFFFFC000  }
0x43: {  	[hbm4b:s17+s3] =	stream.linear.scatter [tilespmem:s29], [sflag:$0xA], $0x4000, $0x38;
	[tilespmem:$0x1E400] =	vst v63  }
0x44: {  	_ =	swait.ge [sflag:s7], $0x4000  }
0x45: {  	[sflag:s7] =	ssyncset.done $0x0  }
0x46: {  	s15 =	simm.s32 $0x400;
	[sflag:s7] =	ssyncadd.s32 $0xFFFFC000  }
0x47: {  	[tilespmem:s26], [sflag:$0x3] =	stream.indirect.gather [hbm4b:s2+s22], $0x80, s15, s22, $0xb8;
	[tilespmem:$0x1E400] =	vst v63  }
0x48: {  	_ =	swait.ge [sflag:s8], $0x4000  }
0x49: {  	[sflag:s8] =	ssyncset.done $0x0  }
0x4a: {  	s16 =	rddreg [dreg:$0x8];
	[sflag:s8] =	ssyncadd.s32 $0xFFFFC000  }
0x4b: {  	[hbm4b:s16+s3] =	stream.linear.scatter [tilespmem:s31], [sflag:$0xB], $0x4000, $0x38;
	[tilespmem:$0x1E400] =	vst v63  }
0x4c: {  	_ =	swait.ge [sflag:s9], $0x4000  }
0x4d: {  	[sflag:s9] =	ssyncset.done $0x0  }
0x4e: {  	s17 =	simm.s32 $0x480;
	[sflag:s9] =	ssyncadd.s32 $0xFFFFC000  }
0x4f: {  	[tilespmem:s29], [sflag:$0x4] =	stream.indirect.gather [hbm4b:s2+s22], $0x80, s17, s22, $0xb8;
	[tilespmem:$0x1E400] =	vst v63  }
0x50: {  	_ =	swait.ge [sflag:s10], $0x4000  }
0x51: {  	[sflag:s10] =	ssyncset.done $0x0  }
0x52: {  	s15 =	rddreg [dreg:$0x9];
	[sflag:s10] =	ssyncadd.s32 $0xFFFFC000  }
0x53: {  	[hbm4b:s15+s3] =	stream.linear.scatter [tilespmem:s0], [sflag:$0xC], $0x4000, $0x38;
	[tilespmem:$0x1E400] =	vst v63  }
0x54: {  	_ =	swait.ge [sflag:s11], $0x4000  }
0x55: {  	[sflag:s11] =	ssyncset.done $0x0  }
0x56: {  	s16 =	simm.s32 $0x500;
	[sflag:s11] =	ssyncadd.s32 $0xFFFFC000  }
0x57: {  	[tilespmem:s31], [sflag:$0x5] =	stream.indirect.gather [hbm4b:s2+s22], $0x80, s16, s22, $0xb8;
	[tilespmem:$0x1E400] =	vst v63  }
0x58: {  	_ =	swait.ge [sflag:s25], $0x4000  }
0x59: {  	[sflag:s25] =	ssyncset.done $0x0  }
0x5a: {  	s17 =	sadd.s32 $0xFFFFD800, s20;
	[sflag:s25] =	ssyncadd.s32 $0xFFFFC000  }
0x5b: {  	[hbm4b:s17+s3] =	stream.linear.scatter [tilespmem:s23], [sflag:$0x7], $0x4000, $0x38;
	[tilespmem:$0x1E400] =	vst v63  }
0x5c: {  	_ =	swait.ge [sflag:s12], $0x4000  }
0x5d: {  	[sflag:s12] =	ssyncset.done $0x0  }
0x5e: {  	s15 =	simm.s32 $0x580;
	[sflag:s12] =	ssyncadd.s32 $0xFFFFC000  }
0x5f: {  	[tilespmem:s0], [sflag:$0x6] =	stream.indirect.gather [hbm4b:s2+s22], $0x80, s15, s22, $0xb8;
	[tilespmem:$0x1E400] =	vst v63  }
0x60: {  	_ =	swait.ge [sflag:s28], $0x4000  }
0x61: {  	[sflag:s28] =	ssyncset.done $0x0  }
0x62: {  	s16 =	sadd.s32 $0xFFFFE000, s20;
	[sflag:s28] =	ssyncadd.s32 $0xFFFFC000  }
0x63: {  	[hbm4b:s16+s3] =	stream.linear.scatter [tilespmem:s24], [sflag:$0x8], $0x4000, $0x38;
	[tilespmem:$0x1E400] =	vst v63  }
0x64: {  	_ =	swait.ge [sflag:s30], $0x4000  }
0x65: {  	[sflag:s30] =	ssyncset.done $0x0  }
0x66: {  	s17 =	simm.s32 $0x600;
	[sflag:s30] =	ssyncadd.s32 $0xFFFFC000  }
0x67: {  	[tilespmem:s23], [sflag:$0x1] =	stream.indirect.gather [hbm4b:s2+s22], $0x80, s17, s22, $0xb8;
	[tilespmem:$0x1E400] =	vst v63  }
0x68: {  	_ =	swait.ge [sflag:s1], $0x4000  }
0x69: {  	[sflag:s1] =	ssyncset.done $0x0  }
0x6a: {  	s15 =	sadd.s32 $0xFFFFE800, s20;
	[sflag:s1] =	ssyncadd.s32 $0xFFFFC000  }
0x6b: {  	[hbm4b:s15+s3] =	stream.linear.scatter [tilespmem:s26], [sflag:$0x9], $0x4000, $0x38;
	[tilespmem:$0x1E400] =	vst v63  }
0x6c: {  	_ =	swait.ge [sflag:s4], $0x4000  }
0x6d: {  	[sflag:s4] =	ssyncset.done $0x0  }
0x6e: {  	s16 =	simm.s32 $0x680;
	[sflag:s4] =	ssyncadd.s32 $0xFFFFC000  }
0x6f: {  	[tilespmem:s24], [sflag:$0x2] =	stream.indirect.gather [hbm4b:s2+s22], $0x80, s16, s22, $0xb8;
	[tilespmem:$0x1E400] =	vst v63  }
0x70: {  	_ =	swait.ge [sflag:s6], $0x4000  }
0x71: {  	[sflag:s6] =	ssyncset.done $0x0  }
0x72: {  	s17 =	sadd.s32 $0xFFFFF000, s20;
	[sflag:s6] =	ssyncadd.s32 $0xFFFFC000  }
0x73: {  	[hbm4b:s17+s3] =	stream.linear.scatter [tilespmem:s29], [sflag:$0xA], $0x4000, $0x38;
	[tilespmem:$0x1E400] =	vst v63  }
0x74: {  	_ =	swait.ge [sflag:s7], $0x4000  }
0x75: {  	[sflag:s7] =	ssyncset.done $0x0  }
0x76: {  	s15 =	simm.s32 $0x700;
	[sflag:s7] =	ssyncadd.s32 $0xFFFFC000  }
0x77: {  	[tilespmem:s26], [sflag:$0x3] =	stream.indirect.gather [hbm4b:s2+s22], $0x80, s15, s22, $0xb8;
	[tilespmem:$0x1E400] =	vst v63  }
0x78: {  	_ =	swait.ge [sflag:s8], $0x4000  }
0x79: {  	[sflag:s8] =	ssyncset.done $0x0  }
0x7a: {  	s16 =	sadd.s32 $0xFFFFF800, s20;
	[sflag:s8] =	ssyncadd.s32 $0xFFFFC000  }
0x7b: {  	[hbm4b:s16+s3] =	stream.linear.scatter [tilespmem:s31], [sflag:$0xB], $0x4000, $0x38;
	[tilespmem:$0x1E400] =	vst v63  }
0x7c: {  	_ =	swait.ge [sflag:s9], $0x4000  }
0x7d: {  	[sflag:s9] =	ssyncset.done $0x0  }
0x7e: {  	s17 =	simm.s32 $0x780;
	[sflag:s9] =	ssyncadd.s32 $0xFFFFC000  }
0x7f: {  	[tilespmem:s29], [sflag:$0x4] =	stream.indirect.gather [hbm4b:s2+s22], $0x80, s17, s22, $0xb8;
	[tilespmem:$0x1E400] =	vst v63  }
0x80: {  	_ =	swait.ge [sflag:s10], $0x4000  }
0x81: {  	[sflag:s10] =	ssyncset.done $0x0  }
0x82: {  	[sflag:s10] =	ssyncadd.s32 $0xFFFFC000  }
0x83: {  	[hbm4b:s20+s3] =	stream.linear.scatter [tilespmem:s0], [sflag:$0xC], $0x4000, $0x38;
	[tilespmem:$0x1E400] =	vst v63  }
0x84: {  	_ =	swait.ge [sflag:s11], $0x4000  }
0x85: {  	s14 =	simm.s32 $0xC00;
	[sflag:s11] =	ssyncset.done $0x0  }
0x86: {  	s15 =	sadd.s32 $0x3000, s20;
	s16 =	simm.s32 $0x800;
	[sflag:s11] =	ssyncadd.s32 $0xFFFFC000  }
.LBB2_2:
0x87: {  	[tilespmem:s31], [sflag:$0x5] =	stream.indirect.gather [hbm4b:s2+s22], $0x80, s16, s22, $0xb8;
	[tilespmem:$0x1E400] =	vst v63  }
0x88: {  	s16 =	smov.u32 s14  }
0x89: {  	p0 =	sne.s32 s14, $0x16800;
	s14 =	sadd.s32 $0xC00, s14;
	_ =	swait.ge [sflag:s25], $0x4000  }
0x8a: {  	[sflag:s25] =	ssyncset.done $0x0  }
0x8b: {  	s17 =	sadd.s32 $0xFFFFD800, s15;
	[sflag:s25] =	ssyncadd.s32 $0xFFFFC000  }
0x8c: {  	[hbm4b:s17+s3] =	stream.linear.scatter [tilespmem:s23], [sflag:$0x7], $0x4000, $0x38;
	[tilespmem:$0x1E400] =	vst v63  }
0x8d: {  	_ =	swait.ge [sflag:s12], $0x4000  }
0x8e: {  	s16 =	sshra.s32 s16, $0x2;
	[sflag:s12] =	ssyncset.done $0x0  }
0x8f: {  	s17 =	sadd.s32 $0x580, s16;
	[sflag:s12] =	ssyncadd.s32 $0xFFFFC000  }
0x90: {  	[tilespmem:s0], [sflag:$0x6] =	stream.indirect.gather [hbm4b:s2+s22], $0x80, s17, s22, $0xb8;
	[tilespmem:$0x1E400] =	vst v63  }
0x91: {  	_ =	swait.ge [sflag:s28], $0x4000  }
0x92: {  	[sflag:s28] =	ssyncset.done $0x0  }
0x93: {  	s17 =	sadd.s32 $0xFFFFE000, s15;
	[sflag:s28] =	ssyncadd.s32 $0xFFFFC000  }
0x94: {  	[hbm4b:s17+s3] =	stream.linear.scatter [tilespmem:s24], [sflag:$0x8], $0x4000, $0x38;
	[tilespmem:$0x1E400] =	vst v63  }
0x95: {  	_ =	swait.ge [sflag:s30], $0x4000  }
0x96: {  	[sflag:s30] =	ssyncset.done $0x0  }
0x97: {  	s17 =	sadd.s32 $0x600, s16;
	[sflag:s30] =	ssyncadd.s32 $0xFFFFC000  }
0x98: {  	[tilespmem:s23], [sflag:$0x1] =	stream.indirect.gather [hbm4b:s2+s22], $0x80, s17, s22, $0xb8;
	[tilespmem:$0x1E400] =	vst v63  }
0x99: {  	_ =	swait.ge [sflag:s1], $0x4000  }
0x9a: {  	[sflag:s1] =	ssyncset.done $0x0  }
0x9b: {  	s17 =	sadd.s32 $0xFFFFE800, s15;
	[sflag:s1] =	ssyncadd.s32 $0xFFFFC000  }
0x9c: {  	[hbm4b:s17+s3] =	stream.linear.scatter [tilespmem:s26], [sflag:$0x9], $0x4000, $0x38;
	[tilespmem:$0x1E400] =	vst v63  }
0x9d: {  	_ =	swait.ge [sflag:s4], $0x4000  }
0x9e: {  	[sflag:s4] =	ssyncset.done $0x0  }
0x9f: {  	s17 =	sadd.s32 $0x680, s16;
	[sflag:s4] =	ssyncadd.s32 $0xFFFFC000  }
0xa0: {  	[tilespmem:s24], [sflag:$0x2] =	stream.indirect.gather [hbm4b:s2+s22], $0x80, s17, s22, $0xb8;
	[tilespmem:$0x1E400] =	vst v63  }
0xa1: {  	_ =	swait.ge [sflag:s6], $0x4000  }
0xa2: {  	[sflag:s6] =	ssyncset.done $0x0  }
0xa3: {  	s17 =	sadd.s32 $0xFFFFF000, s15;
	[sflag:s6] =	ssyncadd.s32 $0xFFFFC000  }
0xa4: {  	[hbm4b:s17+s3] =	stream.linear.scatter [tilespmem:s29], [sflag:$0xA], $0x4000, $0x38;
	[tilespmem:$0x1E400] =	vst v63  }
0xa5: {  	_ =	swait.ge [sflag:s7], $0x4000  }
0xa6: {  	[sflag:s7] =	ssyncset.done $0x0  }
0xa7: {  	s17 =	sadd.s32 $0x700, s16;
	[sflag:s7] =	ssyncadd.s32 $0xFFFFC000  }
0xa8: {  	[tilespmem:s26], [sflag:$0x3] =	stream.indirect.gather [hbm4b:s2+s22], $0x80, s17, s22, $0xb8;
	[tilespmem:$0x1E400] =	vst v63  }
0xa9: {  	_ =	swait.ge [sflag:s8], $0x4000  }
0xaa: {  	[sflag:s8] =	ssyncset.done $0x0  }
0xab: {  	s17 =	sadd.s32 $0xFFFFF800, s15;
	[sflag:s8] =	ssyncadd.s32 $0xFFFFC000  }
0xac: {  	[hbm4b:s17+s3] =	stream.linear.scatter [tilespmem:s31], [sflag:$0xB], $0x4000, $0x38;
	[tilespmem:$0x1E400] =	vst v63  }
0xad: {  	_ =	swait.ge [sflag:s9], $0x4000  }
0xae: {  	[sflag:s9] =	ssyncset.done $0x0  }
0xaf: {  	s17 =	sadd.s32 $0x780, s16;
	[sflag:s9] =	ssyncadd.s32 $0xFFFFC000  }
0xb0: {  	[tilespmem:s29], [sflag:$0x4] =	stream.indirect.gather [hbm4b:s2+s22], $0x80, s17, s22, $0xb8;
	[tilespmem:$0x1E400] =	vst v63  }
0xb1: {  	_ =	swait.ge [sflag:s10], $0x4000  }
0xb2: {  	[sflag:s10] =	ssyncset.done $0x0  }
.Ltmp0:
0xb3: {  	[sflag:s10] =	ssyncadd.s32 $0xFFFFC000;
	(pc) =	sbr.rel @p0 .LBB2_2-.Ltmp0, $4  }
0xb4: {  	[hbm4b:s15+s3] =	stream.linear.scatter [tilespmem:s0], [sflag:$0xC], $0x4000, $0x38;
	[tilespmem:$0x1E400] =	vst v63  }
0xb5: {  	_ =	swait.ge [sflag:s11], $0x4000  }
0xb6: {  	[sflag:s11] =	ssyncset.done $0x0  }
0xb7: {  	s16 =	sadd.s32 $0x800, s16;
	s15 =	sadd.s32 $0x3000, s15;
	[sflag:s11] =	ssyncadd.s32 $0xFFFFC000  }
0xb8: {  	[tilespmem:s31], [sflag:$0x5] =	stream.indirect.gather [hbm4b:s2+s22], $0x80, s16, s22, $0xb8;
	[tilespmem:$0x1E400] =	vst v63  }
0xb9: {  	_ =	swait.ge [sflag:s25], $0x4000  }
0xba: {  	[sflag:s25] =	ssyncset.done $0x0  }
0xbb: {  	s14 =	rddreg [dreg:$0xa];
	[sflag:s25] =	ssyncadd.s32 $0xFFFFC000  }
0xbc: {  	[hbm4b:s14+s3] =	stream.linear.scatter [tilespmem:s23], [sflag:$0x7], $0x4000, $0x38;
	[tilespmem:$0x1E400] =	vst v63  }
0xbd: {  	_ =	swait.ge [sflag:s12], $0x4000  }
0xbe: {  	[sflag:s12] =	ssyncset.done $0x0  }
0xbf: {  	s15 =	simm.s32 $0x6280;
	[sflag:s12] =	ssyncadd.s32 $0xFFFFC000  }
0xc0: {  	[tilespmem:s0], [sflag:$0x6] =	stream.indirect.gather [hbm4b:s2+s22], $0x80, s15, s22, $0xb8;
	[tilespmem:$0x1E400] =	vst v63  }
0xc1: {  	_ =	swait.ge [sflag:s28], $0x4000  }
0xc2: {  	[sflag:s28] =	ssyncset.done $0x0  }
0xc3: {  	s16 =	rddreg [dreg:$0xb];
	[sflag:s28] =	ssyncadd.s32 $0xFFFFC000  }
0xc4: {  	[hbm4b:s16+s3] =	stream.linear.scatter [tilespmem:s24], [sflag:$0x8], $0x4000, $0x38;
	[tilespmem:$0x1E400] =	vst v63  }
0xc5: {  	_ =	swait.ge [sflag:s30], $0x4000  }
0xc6: {  	[sflag:s30] =	ssyncset.done $0x0  }
0xc7: {  	s17 =	simm.s32 $0x6300;
	[sflag:s30] =	ssyncadd.s32 $0xFFFFC000  }
0xc8: {  	[tilespmem:s23], [sflag:$0x1] =	stream.indirect.gather [hbm4b:s2+s22], $0x80, s17, s22, $0xb8;
	[tilespmem:$0x1E400] =	vst v63  }
0xc9: {  	_ =	swait.ge [sflag:s1], $0x4000  }
0xca: {  	[sflag:s1] =	ssyncset.done $0x0  }
0xcb: {  	s15 =	rddreg [dreg:$0xc];
	[sflag:s1] =	ssyncadd.s32 $0xFFFFC000  }
0xcc: {  	[hbm4b:s15+s3] =	stream.linear.scatter [tilespmem:s26], [sflag:$0x9], $0x4000, $0x38;
	[tilespmem:$0x1E400] =	vst v63  }
0xcd: {  	_ =	swait.ge [sflag:s4], $0x4000  }
0xce: {  	[sflag:s4] =	ssyncset.done $0x0  }
0xcf: {  	s16 =	simm.s32 $0x6380;
	[sflag:s4] =	ssyncadd.s32 $0xFFFFC000  }
0xd0: {  	[tilespmem:s24], [sflag:$0x2] =	stream.indirect.gather [hbm4b:s2+s22], $0x80, s16, s22, $0xb8;
	[tilespmem:$0x1E400] =	vst v63  }
0xd1: {  	_ =	swait.ge [sflag:s6], $0x4000  }
0xd2: {  	[sflag:s6] =	ssyncset.done $0x0  }
0xd3: {  	s17 =	rddreg [dreg:$0xd];
	[sflag:s6] =	ssyncadd.s32 $0xFFFFC000  }
0xd4: {  	[hbm4b:s17+s3] =	stream.linear.scatter [tilespmem:s29], [sflag:$0xA], $0x4000, $0x38;
	[tilespmem:$0x1E400] =	vst v63  }
0xd5: {  	_ =	swait.ge [sflag:s7], $0x4000  }
0xd6: {  	[sflag:s7] =	ssyncset.done $0x0  }
0xd7: {  	[sflag:s7] =	ssyncadd.s32 $0xFFFFC000  }
0xd8: {  	_ =	swait.ge [sflag:s8], $0x4000  }
0xd9: {  	[sflag:s8] =	ssyncset.done $0x0  }
0xda: {  	s15 =	rddreg [dreg:$0xe];
	[sflag:s8] =	ssyncadd.s32 $0xFFFFC000  }
0xdb: {  	[hbm4b:s15+s3] =	stream.linear.scatter [tilespmem:s31], [sflag:$0xB], $0x4000, $0x38;
	[tilespmem:$0x1E400] =	vst v63  }
0xdc: {  	_ =	swait.ge [sflag:s9], $0x4000  }
0xdd: {  	[sflag:s9] =	ssyncset.done $0x0  }
0xde: {  	[sflag:s9] =	ssyncadd.s32 $0xFFFFC000  }
0xdf: {  	_ =	swait.ge [sflag:s10], $0x4000  }
0xe0: {  	[sflag:s10] =	ssyncset.done $0x0  }
0xe1: {  	s16 =	rddreg [dreg:$0xf];
	[sflag:s10] =	ssyncadd.s32 $0xFFFFC000  }
0xe2: {  	[hbm4b:s16+s3] =	stream.linear.scatter [tilespmem:s0], [sflag:$0xC], $0x4000, $0x38;
	[tilespmem:$0x1E400] =	vst v63  }
0xe3: {  	_ =	swait.ge [sflag:s11], $0x4000  }
0xe4: {  	[sflag:s11] =	ssyncset.done $0x0  }
0xe5: {  	[sflag:s11] =	ssyncadd.s32 $0xFFFFC000  }
0xe6: {  	_ =	swait.ge [sflag:s25], $0x4000  }
0xe7: {  	[sflag:s25] =	ssyncset.done $0x0  }
0xe8: {  	s17 =	rddreg [dreg:$0x10];
	[sflag:s25] =	ssyncadd.s32 $0xFFFFC000  }
0xe9: {  	[hbm4b:s17+s3] =	stream.linear.scatter [tilespmem:s23], [sflag:$0x7], $0x4000, $0x38;
	[tilespmem:$0x1E400] =	vst v63  }
0xea: {  	_ =	swait.ge [sflag:s12], $0x4000  }
0xeb: {  	[sflag:s12] =	ssyncset.done $0x0  }
0xec: {  	[sflag:s12] =	ssyncadd.s32 $0xFFFFC000  }
0xed: {  	_ =	swait.ge [sflag:s28], $0x4000  }
0xee: {  	[sflag:s28] =	ssyncset.done $0x0  }
0xef: {  	s13 =	sadd.s32 $0x1, s13;
	[sflag:s28] =	ssyncadd.s32 $0xFFFFC000  }
0xf0: {  	[hbm4b:s18+s3] =	stream.linear.scatter [tilespmem:s24], [sflag:$0x8], $0x4000, $0x38;
	[tilespmem:$0x1E400] =	vst v63  }
0xf1: {  	p0 =	sne.s32 s13, s19;
	_ =	swait.ge [sflag:s30], $0x4000  }
.Ltmp1:
0xf2: {  	[sflag:s30] =	ssyncset.done $0x0;
	(pc) =	sbr.rel @p0 .LBB2_1-.Ltmp1, $4  }
0xf3: {  	[sflag:s30] =	ssyncadd.s32 $0xFFFFC000  }
0xf4: {  	_ =	swait.ge [sflag:s4], $0x4000  }
0xf5: {  	[sflag:s4] =	ssyncset.done $0x0  }
0xf6: {  	[sflag:s4] =	ssyncadd.s32 $0xFFFFC000  }
0xf7: {  	_ =	sfence.sel $0x180000  }
0xf8: {  	[bflag:$0x0] =	sbarrier.arrive $0xFFFF  }
0xf9: {  	_ =	strace $0x90000047  }
0xfa: {  	s0 =	stileid.u32;
	[bflag:$0x2] =	sbarrier.arrive $0xFFFF  }
0xfb: {  	p0 =	sne.s32 s0, $0x0;
	s0 =	rddreg [dreg:$0x3]  }
0xfc: {  	s0 =	sadd.s32 @!p0 $0x100000, s0  }
0xfd: {  	[sflag:s0] =	ssyncadd.tile.s32 @!p0 $0x1;
	_ =	shalt  }
.Lfunc_end2:
_tile_overlayer_lowered:
.L_overlay_start_2:
0xfe: {  	(tag) =	ssettag $0x2  }
0xff: {  	s0 =	rddreg [dreg:$0x0];
	s2 =	stileid.u32  }
0x100: {  	s1 =	rddreg [dreg:$0x1];
	p0 =	sne.s32 s2, $0x0  }
0x101: {  	s3 =	rddreg [dreg:$0x2];
	[bflag:$0x3] =	sbarrier.arrive $0xFFFF;
	s2 =	simm.s32 @!p0 $0x1C0D  }
0x102: {  	[timem:s3], [sflag:s2] =	dma.local @!p0 [hbm:s0], s1  }
0x103: {  	s0 =	simm.s32 @!p0 $0xD  }
0x104: {  	_ =	swait.ge @!p0 [sflag:s0], s1  }
0x105: {  	s1 =	ssub.s32 @!p0 $0x0, s1;
	[sflag:s0] =	ssyncset.done @!p0 $0x0  }
0x106: {  	[sflag:s0] =	ssyncadd.s32 @!p0 s1  }
0x107: {  	[bflag:$0x3] =	sbarrier.arrive $0xFFFF  }
0x108: {  	_ =	shalt  }

</sc_bundles>
